<compile_context>
chip_gen: v7x
topology: tpu7x:2x2x1
jax: 0.10.2.dev20260603
libtpu: 0.0.44.dev20260713+nightly
codegen_flags: <defaults>
</compile_context>

<pallas_src>
import functools

import jax
import jax.numpy as jnp
from jax import lax
from jax.experimental import pallas as pl
from jax.experimental.pallas import tpu as pltpu
from jax.experimental.pallas import tpu_sc as plsc

B, L, D = 128, 8192, 4
LD = L * D
NC, NS = 2, 16
NW = NC * NS
BPW = B // NW
NCH = 2
CH = LD // NCH
CHQ = L // NCH

_mesh = plsc.VectorSubcoreMesh(core_axis_name="c", subcore_axis_name="s")


@functools.partial(
    pl.kernel,
    mesh=_mesh,
    compiler_params=pltpu.CompilerParams(needs_layout_passes=False),
    out_type=jax.ShapeDtypeStruct((B * LD,), jnp.float32),
    scratch_types=[
        pltpu.VMEM((L,), jnp.int32),
        pltpu.VMEM((LD,), jnp.float32),
        pltpu.VMEM((LD,), jnp.float32),
        pltpu.VMEM((CH,), jnp.float32),
        pltpu.VMEM((CH,), jnp.float32),
        pltpu.VMEM((CH,), jnp.float32),
        pltpu.SemaphoreType.DMA,
        pltpu.SemaphoreType.DMA,
        pltpu.SemaphoreType.DMA,
        pltpu.SemaphoreType.DMA,
        pltpu.SemaphoreType.DMA,
        pltpu.SemaphoreType.DMA,
    ],
)
def _interleave_sc(in_hbm, qr_hbm, out_hbm, qr_v, x0_v, x1_v,
                   y0_v, y1_v, y2_v,
                   qr_sem, in_sem0, in_sem1,
                   out_sem0, out_sem1, out_sem2):
    wid = lax.axis_index("s") * NC + lax.axis_index("c")
    xbufs = (x0_v, x1_v)
    ybufs = (y0_v, y1_v, y2_v)
    in_sems = (in_sem0, in_sem1)
    out_sems = (out_sem0, out_sem1, out_sem2)
    base = wid * BPW

    qr_cp = pltpu.async_copy(qr_hbm, qr_v, qr_sem)
    in_cp = [None, None]
    in_cp[0] = pltpu.async_copy(
        in_hbm.at[pl.ds(base * LD, LD)], xbufs[0], in_sems[0]
    )
    qr_cp.wait()

    out_cp = [None, None, None]
    ci = 0
    for bi in range(BPW):
        cur = bi % 2
        in_cp[cur].wait()
        if bi + 1 < BPW:
            nxt = (bi + 1) % 2
            in_cp[nxt] = pltpu.async_copy(
                in_hbm.at[pl.ds((base + bi + 1) * LD, LD)],
                xbufs[nxt],
                in_sems[nxt],
            )
        xb = xbufs[cur]
        for c in range(NCH):
            cc = ci % 3
            ci += 1
            yb = ybufs[cc]
            if out_cp[cc] is not None:
                out_cp[cc].wait()

            @plsc.parallel_loop(0, CHQ, step=16, unroll=8)
            def permute_grp(o):
                idx = qr_v[pl.ds(c * CHQ + o, 16)]
                ybase = (o // 128) * (D * 128) + (o % 128)
                for d in range(D):
                    yb[pl.ds(ybase + d * 128, 16)] = plsc.load_gather(
                        xb, [idx + d * 128] if d else [idx]
                    )

            out_cp[cc] = pltpu.async_copy(
                yb,
                out_hbm.at[pl.ds((base + bi) * LD + c * CH, CH)],
                out_sems[cc],
            )
    for cp in out_cp:
        if cp is not None:
            cp.wait()


def kernel(inputs, p_array):
    z = inputs.reshape(B, L // 128, 128, D).transpose(0, 1, 3, 2).reshape(B * LD)
    p2 = p_array.reshape(L // 128, 128)
    qr = ((p2 // 128) * (D * 128) + (p2 % 128)).reshape(L)
    out = _interleave_sc(z, qr)
    return (
        out.reshape(B, L // 128, D, 128).transpose(0, 1, 3, 2).reshape(B, L, D)
    )

# --- scband reference (transcript-rebuilt; emitter-appended) ---
"""Pipeline reference for scband-interleaver-52527450030496 (READ-ONLY COPY).

The authoritative reference and input builder live on the scoring server;
editing this copy changes nothing except your own understanding.
"""

import jax, jax.numpy as jnp
import numpy as np

BATCH = 128
BLOCK_LEN = 8192
DIM = 4


def setup_inputs(seed: int = 0) -> dict:
    key = jax.random.key(seed)
    inputs = jax.random.normal(key, (BATCH, BLOCK_LEN, DIM), dtype=jnp.float32)
    # Module buffer: permutation array built in __init__ (seed = np.random.randint(0,1) == 0)
    rand_gen = np.random.RandomState(0)
    p_array_np = rand_gen.permutation(np.arange(BLOCK_LEN))
    p_array = jnp.asarray(p_array_np, dtype=jnp.int32)
    return {"inputs": inputs, "p_array": p_array}


def reference(inputs, p_array):
    # Faithful translation of Interleaver.interleave:
    #   inputs.permute(1, 0, 2); res = inputs[p_array]; res.permute(1, 0, 2)
    x = jnp.transpose(inputs, (1, 0, 2))          # [L, B, D]
    res = jnp.take(x, p_array, axis=0)            # gather rows by permutation
    return jnp.transpose(res, (1, 0, 2))          # [B, L, D]

if __name__ == "__main__":
    import jax
    _d = setup_inputs()
    print(jax.jit(kernel)(*tuple(_d.values())))

</pallas_src>

<mosaic_0001>
#map = affine_map<(d0, d1) -> (0)>
module attributes {stable_mosaic.version = 14 : i64} {
  func.func @_interleave_sc(%arg0: i32, %arg1: i32, %arg2: memref<4194304xf32, #tpu.memory_space<hbm>>, %arg3: memref<8192xi32, #tpu.memory_space<hbm>>, %arg4: memref<4194304xf32, #tpu.memory_space<hbm>>, %arg5: memref<8192xi32, #tpu.memory_space<vmem>>, %arg6: memref<32768xf32, #tpu.memory_space<vmem>>, %arg7: memref<32768xf32, #tpu.memory_space<vmem>>, %arg8: memref<16384xf32, #tpu.memory_space<vmem>>, %arg9: memref<16384xf32, #tpu.memory_space<vmem>>, %arg10: memref<16384xf32, #tpu.memory_space<vmem>>, %arg11: memref<!tpu.dma_semaphore, #tpu.memory_space<semaphore_mem>>, %arg12: memref<!tpu.dma_semaphore, #tpu.memory_space<semaphore_mem>>, %arg13: memref<!tpu.dma_semaphore, #tpu.memory_space<semaphore_mem>>, %arg14: memref<!tpu.dma_semaphore, #tpu.memory_space<semaphore_mem>>, %arg15: memref<!tpu.dma_semaphore, #tpu.memory_space<semaphore_mem>>, %arg16: memref<!tpu.dma_semaphore, #tpu.memory_space<semaphore_mem>>) attributes {dimension_semantics = [#tpu.dimension_semantics<core_parallel>, #tpu.dimension_semantics<subcore_parallel>], iteration_bounds = array<i64: 2, 16>, scalar_prefetch = 0 : i64, scratch_operands = 12 : i64, tpu.core_type = #tpu.core_type<sc_vector_subcore>, window_params = [{transform_indices = #map}, {transform_indices = #map}, {transform_indices = #map}]} {
    %mul3A = arith.constant 2 : i32
    %mul3A_0 = arith.muli %arg1, %mul3A : i32
    %add3A = arith.addi %mul3A_0, %arg0 : i32
    %mul3A_1 = arith.constant 4 : i32
    %mul3A_2 = arith.muli %add3A, %mul3A_1 : i32
    tpu.enqueue_dma source(%arg3 : memref<8192xi32, #tpu.memory_space<hbm>>) target(%arg5 : memref<8192xi32, #tpu.memory_space<vmem>>) target_semaphore(%arg11 : memref<!tpu.dma_semaphore, #tpu.memory_space<semaphore_mem>>)
    %mul3A_3 = arith.constant 32768 : i32
    %mul3A_4 = arith.muli %mul3A_2, %mul3A_3 : i32
    %dma_start3A = tpu.memref_slice %arg2[%mul3A_4] : memref<4194304xf32, #tpu.memory_space<hbm>> -> memref<32768xf32, #tpu.memory_space<hbm>>
    %dma_start3A_5 = tpu.memref_slice %arg2[%mul3A_4] : memref<4194304xf32, #tpu.memory_space<hbm>> -> memref<32768xf32, #tpu.memory_space<hbm>>
    tpu.enqueue_dma source(%dma_start3A_5 : memref<32768xf32, #tpu.memory_space<hbm>>) target(%arg6 : memref<32768xf32, #tpu.memory_space<vmem>>) target_semaphore(%arg12 : memref<!tpu.dma_semaphore, #tpu.memory_space<semaphore_mem>>)
    tpu.wait_dma2 semaphore(%arg11 : memref<!tpu.dma_semaphore, #tpu.memory_space<semaphore_mem>>) src(%arg3 : memref<8192xi32, #tpu.memory_space<hbm>>) dst(%arg5 : memref<8192xi32, #tpu.memory_space<vmem>>)
    %dma_wait3A = tpu.memref_slice %arg2[%mul3A_4] : memref<4194304xf32, #tpu.memory_space<hbm>> -> memref<32768xf32, #tpu.memory_space<hbm>>
    %dma_wait3A_6 = tpu.memref_slice %arg2[%mul3A_4] : memref<4194304xf32, #tpu.memory_space<hbm>> -> memref<32768xf32, #tpu.memory_space<hbm>>
    tpu.wait_dma2 semaphore(%arg12 : memref<!tpu.dma_semaphore, #tpu.memory_space<semaphore_mem>>) src(%dma_wait3A_6 : memref<32768xf32, #tpu.memory_space<hbm>>) dst(%arg6 : memref<32768xf32, #tpu.memory_space<vmem>>)
    %add3A_7 = arith.constant 0 : i32
    %add3A_8 = arith.addi %mul3A_2, %add3A_7 : i32
    %add3A_9 = arith.constant 1 : i32
    %add3A_10 = arith.addi %add3A_8, %add3A_9 : i32
    %mul3A_11 = arith.constant 32768 : i32
    %mul3A_12 = arith.muli %add3A_10, %mul3A_11 : i32
    %dma_start3A_13 = tpu.memref_slice %arg2[%mul3A_12] : memref<4194304xf32, #tpu.memory_space<hbm>> -> memref<32768xf32, #tpu.memory_space<hbm>>
    %dma_start3A_14 = tpu.memref_slice %arg2[%mul3A_12] : memref<4194304xf32, #tpu.memory_space<hbm>> -> memref<32768xf32, #tpu.memory_space<hbm>>
    tpu.enqueue_dma source(%dma_start3A_14 : memref<32768xf32, #tpu.memory_space<hbm>>) target(%arg7 : memref<32768xf32, #tpu.memory_space<vmem>>) target_semaphore(%arg13 : memref<!tpu.dma_semaphore, #tpu.memory_space<semaphore_mem>>)
    %parallel_loop3A = arith.constant 0 : i32
    %parallel_loop3A_15 = arith.constant 4096 : i32
    %parallel_loop3A_16 = arith.constant 16 : i32
    scf.for %parallel_loop3A_140 = %parallel_loop3A to %parallel_loop3A_15 step %parallel_loop3A_16  : i32 {
      %parallel_loop3A_141 = arith.constant 0 : i32
      %parallel_loop3A_142 = arith.addi %parallel_loop3A_141, %parallel_loop3A_140 : i32
      %parallel_loop3A_143 = arith.index_cast %parallel_loop3A_142 : i32 to index
      %parallel_loop3A_144 = tpu.vector_load %arg5[%parallel_loop3A_143] {strides = array<i32>} : memref<8192xi32, #tpu.memory_space<vmem>>, vector<16xi32>,
      %parallel_loop3A_145 = arith.constant 128 : i32
      %parallel_loop3A_146 = arith.divsi %parallel_loop3A_140, %parallel_loop3A_145 : i32
      %parallel_loop3A_147 = arith.constant 0 : i32
      %parallel_loop3A_148 = arith.cmpi sgt, %parallel_loop3A_140, %parallel_loop3A_147 : i32
      %parallel_loop3A_149 = arith.extui %parallel_loop3A_148 : i1 to i32
      %parallel_loop3A_150 = arith.constant 0 : i32
      %parallel_loop3A_151 = arith.cmpi slt, %parallel_loop3A_140, %parallel_loop3A_150 : i32
      %parallel_loop3A_152 = arith.extui %parallel_loop3A_151 : i1 to i32
      %parallel_loop3A_153 = arith.subi %parallel_loop3A_149, %parallel_loop3A_152 : i32
      %parallel_loop3A_154 = arith.constant 0 : i32
      %parallel_loop3A_155 = arith.cmpi sgt, %parallel_loop3A_145, %parallel_loop3A_154 : i32
      %parallel_loop3A_156 = arith.extui %parallel_loop3A_155 : i1 to i32
      %parallel_loop3A_157 = arith.constant 0 : i32
      %parallel_loop3A_158 = arith.cmpi slt, %parallel_loop3A_145, %parallel_loop3A_157 : i32
      %parallel_loop3A_159 = arith.extui %parallel_loop3A_158 : i1 to i32
      %parallel_loop3A_160 = arith.subi %parallel_loop3A_156, %parallel_loop3A_159 : i32
      %parallel_loop3A_161 = arith.cmpi ne, %parallel_loop3A_153, %parallel_loop3A_160 : i32
      %parallel_loop3A_162 = arith.remsi %parallel_loop3A_140, %parallel_loop3A_145 : i32
      %parallel_loop3A_163 = arith.constant 0 : i32
      %parallel_loop3A_164 = arith.cmpi ne, %parallel_loop3A_162, %parallel_loop3A_163 : i32
      %parallel_loop3A_165 = arith.andi %parallel_loop3A_161, %parallel_loop3A_164 : i1
      %parallel_loop3A_166 = arith.constant 1 : i32
      %parallel_loop3A_167 = arith.subi %parallel_loop3A_146, %parallel_loop3A_166 : i32
      %parallel_loop3A_168 = arith.select %parallel_loop3A_165, %parallel_loop3A_167, %parallel_loop3A_146 : i32
      %parallel_loop3A_169 = arith.constant 512 : i32
      %parallel_loop3A_170 = arith.muli %parallel_loop3A_168, %parallel_loop3A_169 : i32
      %parallel_loop3A_171 = arith.constant 128 : i32
      %parallel_loop3A_172 = arith.constant 0 : i32
      %parallel_loop3A_173 = arith.cmpi eq, %parallel_loop3A_171, %parallel_loop3A_172 : i32
      %parallel_loop3A_174 = arith.constant 1 : i32
      %parallel_loop3A_175 = arith.select %parallel_loop3A_173, %parallel_loop3A_174, %parallel_loop3A_171 : i32
      %parallel_loop3A_176 = arith.remsi %parallel_loop3A_140, %parallel_loop3A_175 : i32
      %parallel_loop3A_177 = arith.constant 0 : i32
      %parallel_loop3A_178 = arith.cmpi ne, %parallel_loop3A_176, %parallel_loop3A_177 : i32
      %parallel_loop3A_179 = arith.constant 0 : i32
      %parallel_loop3A_180 = arith.cmpi slt, %parallel_loop3A_176, %parallel_loop3A_179 : i32
      %parallel_loop3A_181 = arith.constant 0 : i32
      %parallel_loop3A_182 = arith.cmpi slt, %parallel_loop3A_175, %parallel_loop3A_181 : i32
      %parallel_loop3A_183 = arith.xori %parallel_loop3A_180, %parallel_loop3A_182 : i1
      %parallel_loop3A_184 = arith.andi %parallel_loop3A_183, %parallel_loop3A_178 : i1
      %parallel_loop3A_185 = arith.addi %parallel_loop3A_176, %parallel_loop3A_175 : i32
      %parallel_loop3A_186 = arith.select %parallel_loop3A_184, %parallel_loop3A_185, %parallel_loop3A_176 : i32
      %parallel_loop3A_187 = arith.addi %parallel_loop3A_170, %parallel_loop3A_186 : i32
      %parallel_loop3A_188 = tpu.vector_load_idx %arg6[%parallel_loop3A_144] : memref<32768xf32, #tpu.memory_space<vmem>>[vector<16xi32>], vector<16xf32>,
      %parallel_loop3A_189 = arith.constant 0 : i32
      %parallel_loop3A_190 = arith.addi %parallel_loop3A_187, %parallel_loop3A_189 : i32
      %parallel_loop3A_191 = arith.index_cast %parallel_loop3A_190 : i32 to index
      %parallel_loop3A_192 = tpu.vector_load %arg8[%parallel_loop3A_191] {strides = array<i32>} : memref<16384xf32, #tpu.memory_space<vmem>>, vector<16xf32>,
      tpu.vector_store %arg8[%parallel_loop3A_191], %parallel_loop3A_188 {strides = array<i32>} : memref<16384xf32, #tpu.memory_space<vmem>>, vector<16xf32>,
      %parallel_loop3A_193 = arith.constant 128 : i32
      %parallel_loop3A_194 = vector.broadcast %parallel_loop3A_193 : i32 to vector<16xi32>
      %parallel_loop3A_195 = arith.addi %parallel_loop3A_144, %parallel_loop3A_194 : vector<16xi32>
      %parallel_loop3A_196 = tpu.vector_load_idx %arg6[%parallel_loop3A_195] : memref<32768xf32, #tpu.memory_space<vmem>>[vector<16xi32>], vector<16xf32>,
      %parallel_loop3A_197 = arith.constant 128 : i32
      %parallel_loop3A_198 = arith.addi %parallel_loop3A_187, %parallel_loop3A_197 : i32
      %parallel_loop3A_199 = arith.index_cast %parallel_loop3A_198 : i32 to index
      %parallel_loop3A_200 = tpu.vector_load %arg8[%parallel_loop3A_199] {strides = array<i32>} : memref<16384xf32, #tpu.memory_space<vmem>>, vector<16xf32>,
      tpu.vector_store %arg8[%parallel_loop3A_199], %parallel_loop3A_196 {strides = array<i32>} : memref<16384xf32, #tpu.memory_space<vmem>>, vector<16xf32>,
      %parallel_loop3A_201 = arith.constant 256 : i32
      %parallel_loop3A_202 = vector.broadcast %parallel_loop3A_201 : i32 to vector<16xi32>
      %parallel_loop3A_203 = arith.addi %parallel_loop3A_144, %parallel_loop3A_202 : vector<16xi32>
      %parallel_loop3A_204 = tpu.vector_load_idx %arg6[%parallel_loop3A_203] : memref<32768xf32, #tpu.memory_space<vmem>>[vector<16xi32>], vector<16xf32>,
      %parallel_loop3A_205 = arith.constant 256 : i32
      %parallel_loop3A_206 = arith.addi %parallel_loop3A_187, %parallel_loop3A_205 : i32
      %parallel_loop3A_207 = arith.index_cast %parallel_loop3A_206 : i32 to index
      %parallel_loop3A_208 = tpu.vector_load %arg8[%parallel_loop3A_207] {strides = array<i32>} : memref<16384xf32, #tpu.memory_space<vmem>>, vector<16xf32>,
      tpu.vector_store %arg8[%parallel_loop3A_207], %parallel_loop3A_204 {strides = array<i32>} : memref<16384xf32, #tpu.memory_space<vmem>>, vector<16xf32>,
      %parallel_loop3A_209 = arith.constant 384 : i32
      %parallel_loop3A_210 = vector.broadcast %parallel_loop3A_209 : i32 to vector<16xi32>
      %parallel_loop3A_211 = arith.addi %parallel_loop3A_144, %parallel_loop3A_210 : vector<16xi32>
      %parallel_loop3A_212 = tpu.vector_load_idx %arg6[%parallel_loop3A_211] : memref<32768xf32, #tpu.memory_space<vmem>>[vector<16xi32>], vector<16xf32>,
      %parallel_loop3A_213 = arith.constant 384 : i32
      %parallel_loop3A_214 = arith.addi %parallel_loop3A_187, %parallel_loop3A_213 : i32
      %parallel_loop3A_215 = arith.index_cast %parallel_loop3A_214 : i32 to index
      %parallel_loop3A_216 = tpu.vector_load %arg8[%parallel_loop3A_215] {strides = array<i32>} : memref<16384xf32, #tpu.memory_space<vmem>>, vector<16xf32>,
      tpu.vector_store %arg8[%parallel_loop3A_215], %parallel_loop3A_212 {strides = array<i32>} : memref<16384xf32, #tpu.memory_space<vmem>>, vector<16xf32>,
    } {sc.loop_unroll_factor = 8 : i64, sc.parallel_access}
    %add3A_17 = arith.constant 0 : i32
    %add3A_18 = arith.addi %mul3A_2, %add3A_17 : i32
    %mul3A_19 = arith.constant 32768 : i32
    %mul3A_20 = arith.muli %add3A_18, %mul3A_19 : i32
    %add3A_21 = arith.constant 0 : i32
    %add3A_22 = arith.addi %mul3A_20, %add3A_21 : i32
    %dma_start3A_23 = tpu.memref_slice %arg4[%add3A_22] : memref<4194304xf32, #tpu.memory_space<hbm>> -> memref<16384xf32, #tpu.memory_space<hbm>>
    %dma_start3A_24 = tpu.memref_slice %arg4[%add3A_22] : memref<4194304xf32, #tpu.memory_space<hbm>> -> memref<16384xf32, #tpu.memory_space<hbm>>
    tpu.enqueue_dma source(%arg8 : memref<16384xf32, #tpu.memory_space<vmem>>) target(%dma_start3A_24 : memref<16384xf32, #tpu.memory_space<hbm>>) target_semaphore(%arg14 : memref<!tpu.dma_semaphore, #tpu.memory_space<semaphore_mem>>)
    %parallel_loop3A_25 = arith.constant 0 : i32
    %parallel_loop3A_26 = arith.constant 4096 : i32
    %parallel_loop3A_27 = arith.constant 16 : i32
    scf.for %parallel_loop3A_140 = %parallel_loop3A_25 to %parallel_loop3A_26 step %parallel_loop3A_27  : i32 {
      %parallel_loop3A_141 = arith.constant 4096 : i32
      %parallel_loop3A_142 = arith.addi %parallel_loop3A_141, %parallel_loop3A_140 : i32
      %parallel_loop3A_143 = arith.index_cast %parallel_loop3A_142 : i32 to index
      %parallel_loop3A_144 = tpu.vector_load %arg5[%parallel_loop3A_143] {strides = array<i32>} : memref<8192xi32, #tpu.memory_space<vmem>>, vector<16xi32>,
      %parallel_loop3A_145 = arith.constant 128 : i32
      %parallel_loop3A_146 = arith.divsi %parallel_loop3A_140, %parallel_loop3A_145 : i32
      %parallel_loop3A_147 = arith.constant 0 : i32
      %parallel_loop3A_148 = arith.cmpi sgt, %parallel_loop3A_140, %parallel_loop3A_147 : i32
      %parallel_loop3A_149 = arith.extui %parallel_loop3A_148 : i1 to i32
      %parallel_loop3A_150 = arith.constant 0 : i32
      %parallel_loop3A_151 = arith.cmpi slt, %parallel_loop3A_140, %parallel_loop3A_150 : i32
      %parallel_loop3A_152 = arith.extui %parallel_loop3A_151 : i1 to i32
      %parallel_loop3A_153 = arith.subi %parallel_loop3A_149, %parallel_loop3A_152 : i32
      %parallel_loop3A_154 = arith.constant 0 : i32
      %parallel_loop3A_155 = arith.cmpi sgt, %parallel_loop3A_145, %parallel_loop3A_154 : i32
      %parallel_loop3A_156 = arith.extui %parallel_loop3A_155 : i1 to i32
      %parallel_loop3A_157 = arith.constant 0 : i32
      %parallel_loop3A_158 = arith.cmpi slt, %parallel_loop3A_145, %parallel_loop3A_157 : i32
      %parallel_loop3A_159 = arith.extui %parallel_loop3A_158 : i1 to i32
      %parallel_loop3A_160 = arith.subi %parallel_loop3A_156, %parallel_loop3A_159 : i32
      %parallel_loop3A_161 = arith.cmpi ne, %parallel_loop3A_153, %parallel_loop3A_160 : i32
      %parallel_loop3A_162 = arith.remsi %parallel_loop3A_140, %parallel_loop3A_145 : i32
      %parallel_loop3A_163 = arith.constant 0 : i32
      %parallel_loop3A_164 = arith.cmpi ne, %parallel_loop3A_162, %parallel_loop3A_163 : i32
      %parallel_loop3A_165 = arith.andi %parallel_loop3A_161, %parallel_loop3A_164 : i1
      %parallel_loop3A_166 = arith.constant 1 : i32
      %parallel_loop3A_167 = arith.subi %parallel_loop3A_146, %parallel_loop3A_166 : i32
      %parallel_loop3A_168 = arith.select %parallel_loop3A_165, %parallel_loop3A_167, %parallel_loop3A_146 : i32
      %parallel_loop3A_169 = arith.constant 512 : i32
      %parallel_loop3A_170 = arith.muli %parallel_loop3A_168, %parallel_loop3A_169 : i32
      %parallel_loop3A_171 = arith.constant 128 : i32
      %parallel_loop3A_172 = arith.constant 0 : i32
      %parallel_loop3A_173 = arith.cmpi eq, %parallel_loop3A_171, %parallel_loop3A_172 : i32
      %parallel_loop3A_174 = arith.constant 1 : i32
      %parallel_loop3A_175 = arith.select %parallel_loop3A_173, %parallel_loop3A_174, %parallel_loop3A_171 : i32
      %parallel_loop3A_176 = arith.remsi %parallel_loop3A_140, %parallel_loop3A_175 : i32
      %parallel_loop3A_177 = arith.constant 0 : i32
      %parallel_loop3A_178 = arith.cmpi ne, %parallel_loop3A_176, %parallel_loop3A_177 : i32
      %parallel_loop3A_179 = arith.constant 0 : i32
      %parallel_loop3A_180 = arith.cmpi slt, %parallel_loop3A_176, %parallel_loop3A_179 : i32
      %parallel_loop3A_181 = arith.constant 0 : i32
      %parallel_loop3A_182 = arith.cmpi slt, %parallel_loop3A_175, %parallel_loop3A_181 : i32
      %parallel_loop3A_183 = arith.xori %parallel_loop3A_180, %parallel_loop3A_182 : i1
      %parallel_loop3A_184 = arith.andi %parallel_loop3A_183, %parallel_loop3A_178 : i1
      %parallel_loop3A_185 = arith.addi %parallel_loop3A_176, %parallel_loop3A_175 : i32
      %parallel_loop3A_186 = arith.select %parallel_loop3A_184, %parallel_loop3A_185, %parallel_loop3A_176 : i32
      %parallel_loop3A_187 = arith.addi %parallel_loop3A_170, %parallel_loop3A_186 : i32
      %parallel_loop3A_188 = tpu.vector_load_idx %arg6[%parallel_loop3A_144] : memref<32768xf32, #tpu.memory_space<vmem>>[vector<16xi32>], vector<16xf32>,
      %parallel_loop3A_189 = arith.constant 0 : i32
      %parallel_loop3A_190 = arith.addi %parallel_loop3A_187, %parallel_loop3A_189 : i32
      %parallel_loop3A_191 = arith.index_cast %parallel_loop3A_190 : i32 to index
      %parallel_loop3A_192 = tpu.vector_load %arg9[%parallel_loop3A_191] {strides = array<i32>} : memref<16384xf32, #tpu.memory_space<vmem>>, vector<16xf32>,
      tpu.vector_store %arg9[%parallel_loop3A_191], %parallel_loop3A_188 {strides = array<i32>} : memref<16384xf32, #tpu.memory_space<vmem>>, vector<16xf32>,
      %parallel_loop3A_193 = arith.constant 128 : i32
      %parallel_loop3A_194 = vector.broadcast %parallel_loop3A_193 : i32 to vector<16xi32>
      %parallel_loop3A_195 = arith.addi %parallel_loop3A_144, %parallel_loop3A_194 : vector<16xi32>
      %parallel_loop3A_196 = tpu.vector_load_idx %arg6[%parallel_loop3A_195] : memref<32768xf32, #tpu.memory_space<vmem>>[vector<16xi32>], vector<16xf32>,
      %parallel_loop3A_197 = arith.constant 128 : i32
      %parallel_loop3A_198 = arith.addi %parallel_loop3A_187, %parallel_loop3A_197 : i32
      %parallel_loop3A_199 = arith.index_cast %parallel_loop3A_198 : i32 to index
      %parallel_loop3A_200 = tpu.vector_load %arg9[%parallel_loop3A_199] {strides = array<i32>} : memref<16384xf32, #tpu.memory_space<vmem>>, vector<16xf32>,
      tpu.vector_store %arg9[%parallel_loop3A_199], %parallel_loop3A_196 {strides = array<i32>} : memref<16384xf32, #tpu.memory_space<vmem>>, vector<16xf32>,
      %parallel_loop3A_201 = arith.constant 256 : i32
      %parallel_loop3A_202 = vector.broadcast %parallel_loop3A_201 : i32 to vector<16xi32>
      %parallel_loop3A_203 = arith.addi %parallel_loop3A_144, %parallel_loop3A_202 : vector<16xi32>
      %parallel_loop3A_204 = tpu.vector_load_idx %arg6[%parallel_loop3A_203] : memref<32768xf32, #tpu.memory_space<vmem>>[vector<16xi32>], vector<16xf32>,
      %parallel_loop3A_205 = arith.constant 256 : i32
      %parallel_loop3A_206 = arith.addi %parallel_loop3A_187, %parallel_loop3A_205 : i32
      %parallel_loop3A_207 = arith.index_cast %parallel_loop3A_206 : i32 to index
      %parallel_loop3A_208 = tpu.vector_load %arg9[%parallel_loop3A_207] {strides = array<i32>} : memref<16384xf32, #tpu.memory_space<vmem>>, vector<16xf32>,
      tpu.vector_store %arg9[%parallel_loop3A_207], %parallel_loop3A_204 {strides = array<i32>} : memref<16384xf32, #tpu.memory_space<vmem>>, vector<16xf32>,
      %parallel_loop3A_209 = arith.constant 384 : i32
      %parallel_loop3A_210 = vector.broadcast %parallel_loop3A_209 : i32 to vector<16xi32>
      %parallel_loop3A_211 = arith.addi %parallel_loop3A_144, %parallel_loop3A_210 : vector<16xi32>
      %parallel_loop3A_212 = tpu.vector_load_idx %arg6[%parallel_loop3A_211] : memref<32768xf32, #tpu.memory_space<vmem>>[vector<16xi32>], vector<16xf32>,
      %parallel_loop3A_213 = arith.constant 384 : i32
      %parallel_loop3A_214 = arith.addi %parallel_loop3A_187, %parallel_loop3A_213 : i32
      %parallel_loop3A_215 = arith.index_cast %parallel_loop3A_214 : i32 to index
      %parallel_loop3A_216 = tpu.vector_load %arg9[%parallel_loop3A_215] {strides = array<i32>} : memref<16384xf32, #tpu.memory_space<vmem>>, vector<16xf32>,
      tpu.vector_store %arg9[%parallel_loop3A_215], %parallel_loop3A_212 {strides = array<i32>} : memref<16384xf32, #tpu.memory_space<vmem>>, vector<16xf32>,
    } {sc.loop_unroll_factor = 8 : i64, sc.parallel_access}
    %add3A_28 = arith.constant 0 : i32
    %add3A_29 = arith.addi %mul3A_2, %add3A_28 : i32
    %mul3A_30 = arith.constant 32768 : i32
    %mul3A_31 = arith.muli %add3A_29, %mul3A_30 : i32
    %add3A_32 = arith.constant 16384 : i32
    %add3A_33 = arith.addi %mul3A_31, %add3A_32 : i32
    %dma_start3A_34 = tpu.memref_slice %arg4[%add3A_33] : memref<4194304xf32, #tpu.memory_space<hbm>> -> memref<16384xf32, #tpu.memory_space<hbm>>
    %dma_start3A_35 = tpu.memref_slice %arg4[%add3A_33] : memref<4194304xf32, #tpu.memory_space<hbm>> -> memref<16384xf32, #tpu.memory_space<hbm>>
    tpu.enqueue_dma source(%arg9 : memref<16384xf32, #tpu.memory_space<vmem>>) target(%dma_start3A_35 : memref<16384xf32, #tpu.memory_space<hbm>>) target_semaphore(%arg15 : memref<!tpu.dma_semaphore, #tpu.memory_space<semaphore_mem>>)
    %dma_wait3A_36 = tpu.memref_slice %arg2[%mul3A_12] : memref<4194304xf32, #tpu.memory_space<hbm>> -> memref<32768xf32, #tpu.memory_space<hbm>>
    %dma_wait3A_37 = tpu.memref_slice %arg2[%mul3A_12] : memref<4194304xf32, #tpu.memory_space<hbm>> -> memref<32768xf32, #tpu.memory_space<hbm>>
    tpu.wait_dma2 semaphore(%arg13 : memref<!tpu.dma_semaphore, #tpu.memory_space<semaphore_mem>>) src(%dma_wait3A_37 : memref<32768xf32, #tpu.memory_space<hbm>>) dst(%arg7 : memref<32768xf32, #tpu.memory_space<vmem>>)
    %add3A_38 = arith.constant 1 : i32
    %add3A_39 = arith.addi %mul3A_2, %add3A_38 : i32
    %add3A_40 = arith.constant 1 : i32
    %add3A_41 = arith.addi %add3A_39, %add3A_40 : i32
    %mul3A_42 = arith.constant 32768 : i32
    %mul3A_43 = arith.muli %add3A_41, %mul3A_42 : i32
    %dma_start3A_44 = tpu.memref_slice %arg2[%mul3A_43] : memref<4194304xf32, #tpu.memory_space<hbm>> -> memref<32768xf32, #tpu.memory_space<hbm>>
    %dma_start3A_45 = tpu.memref_slice %arg2[%mul3A_43] : memref<4194304xf32, #tpu.memory_space<hbm>> -> memref<32768xf32, #tpu.memory_space<hbm>>
    tpu.enqueue_dma source(%dma_start3A_45 : memref<32768xf32, #tpu.memory_space<hbm>>) target(%arg6 : memref<32768xf32, #tpu.memory_space<vmem>>) target_semaphore(%arg12 : memref<!tpu.dma_semaphore, #tpu.memory_space<semaphore_mem>>)
    %parallel_loop3A_46 = arith.constant 0 : i32
    %parallel_loop3A_47 = arith.constant 4096 : i32
    %parallel_loop3A_48 = arith.constant 16 : i32
    scf.for %parallel_loop3A_140 = %parallel_loop3A_46 to %parallel_loop3A_47 step %parallel_loop3A_48  : i32 {
      %parallel_loop3A_141 = arith.constant 0 : i32
      %parallel_loop3A_142 = arith.addi %parallel_loop3A_141, %parallel_loop3A_140 : i32
      %parallel_loop3A_143 = arith.index_cast %parallel_loop3A_142 : i32 to index
      %parallel_loop3A_144 = tpu.vector_load %arg5[%parallel_loop3A_143] {strides = array<i32>} : memref<8192xi32, #tpu.memory_space<vmem>>, vector<16xi32>,
      %parallel_loop3A_145 = arith.constant 128 : i32
      %parallel_loop3A_146 = arith.divsi %parallel_loop3A_140, %parallel_loop3A_145 : i32
      %parallel_loop3A_147 = arith.constant 0 : i32
      %parallel_loop3A_148 = arith.cmpi sgt, %parallel_loop3A_140, %parallel_loop3A_147 : i32
      %parallel_loop3A_149 = arith.extui %parallel_loop3A_148 : i1 to i32
      %parallel_loop3A_150 = arith.constant 0 : i32
      %parallel_loop3A_151 = arith.cmpi slt, %parallel_loop3A_140, %parallel_loop3A_150 : i32
      %parallel_loop3A_152 = arith.extui %parallel_loop3A_151 : i1 to i32
      %parallel_loop3A_153 = arith.subi %parallel_loop3A_149, %parallel_loop3A_152 : i32
      %parallel_loop3A_154 = arith.constant 0 : i32
      %parallel_loop3A_155 = arith.cmpi sgt, %parallel_loop3A_145, %parallel_loop3A_154 : i32
      %parallel_loop3A_156 = arith.extui %parallel_loop3A_155 : i1 to i32
      %parallel_loop3A_157 = arith.constant 0 : i32
      %parallel_loop3A_158 = arith.cmpi slt, %parallel_loop3A_145, %parallel_loop3A_157 : i32
      %parallel_loop3A_159 = arith.extui %parallel_loop3A_158 : i1 to i32
      %parallel_loop3A_160 = arith.subi %parallel_loop3A_156, %parallel_loop3A_159 : i32
      %parallel_loop3A_161 = arith.cmpi ne, %parallel_loop3A_153, %parallel_loop3A_160 : i32
      %parallel_loop3A_162 = arith.remsi %parallel_loop3A_140, %parallel_loop3A_145 : i32
      %parallel_loop3A_163 = arith.constant 0 : i32
      %parallel_loop3A_164 = arith.cmpi ne, %parallel_loop3A_162, %parallel_loop3A_163 : i32
      %parallel_loop3A_165 = arith.andi %parallel_loop3A_161, %parallel_loop3A_164 : i1
      %parallel_loop3A_166 = arith.constant 1 : i32
      %parallel_loop3A_167 = arith.subi %parallel_loop3A_146, %parallel_loop3A_166 : i32
      %parallel_loop3A_168 = arith.select %parallel_loop3A_165, %parallel_loop3A_167, %parallel_loop3A_146 : i32
      %parallel_loop3A_169 = arith.constant 512 : i32
      %parallel_loop3A_170 = arith.muli %parallel_loop3A_168, %parallel_loop3A_169 : i32
      %parallel_loop3A_171 = arith.constant 128 : i32
      %parallel_loop3A_172 = arith.constant 0 : i32
      %parallel_loop3A_173 = arith.cmpi eq, %parallel_loop3A_171, %parallel_loop3A_172 : i32
      %parallel_loop3A_174 = arith.constant 1 : i32
      %parallel_loop3A_175 = arith.select %parallel_loop3A_173, %parallel_loop3A_174, %parallel_loop3A_171 : i32
      %parallel_loop3A_176 = arith.remsi %parallel_loop3A_140, %parallel_loop3A_175 : i32
      %parallel_loop3A_177 = arith.constant 0 : i32
      %parallel_loop3A_178 = arith.cmpi ne, %parallel_loop3A_176, %parallel_loop3A_177 : i32
      %parallel_loop3A_179 = arith.constant 0 : i32
      %parallel_loop3A_180 = arith.cmpi slt, %parallel_loop3A_176, %parallel_loop3A_179 : i32
      %parallel_loop3A_181 = arith.constant 0 : i32
      %parallel_loop3A_182 = arith.cmpi slt, %parallel_loop3A_175, %parallel_loop3A_181 : i32
      %parallel_loop3A_183 = arith.xori %parallel_loop3A_180, %parallel_loop3A_182 : i1
      %parallel_loop3A_184 = arith.andi %parallel_loop3A_183, %parallel_loop3A_178 : i1
      %parallel_loop3A_185 = arith.addi %parallel_loop3A_176, %parallel_loop3A_175 : i32
      %parallel_loop3A_186 = arith.select %parallel_loop3A_184, %parallel_loop3A_185, %parallel_loop3A_176 : i32
      %parallel_loop3A_187 = arith.addi %parallel_loop3A_170, %parallel_loop3A_186 : i32
      %parallel_loop3A_188 = tpu.vector_load_idx %arg7[%parallel_loop3A_144] : memref<32768xf32, #tpu.memory_space<vmem>>[vector<16xi32>], vector<16xf32>,
      %parallel_loop3A_189 = arith.constant 0 : i32
      %parallel_loop3A_190 = arith.addi %parallel_loop3A_187, %parallel_loop3A_189 : i32
      %parallel_loop3A_191 = arith.index_cast %parallel_loop3A_190 : i32 to index
      %parallel_loop3A_192 = tpu.vector_load %arg10[%parallel_loop3A_191] {strides = array<i32>} : memref<16384xf32, #tpu.memory_space<vmem>>, vector<16xf32>,
      tpu.vector_store %arg10[%parallel_loop3A_191], %parallel_loop3A_188 {strides = array<i32>} : memref<16384xf32, #tpu.memory_space<vmem>>, vector<16xf32>,
      %parallel_loop3A_193 = arith.constant 128 : i32
      %parallel_loop3A_194 = vector.broadcast %parallel_loop3A_193 : i32 to vector<16xi32>
      %parallel_loop3A_195 = arith.addi %parallel_loop3A_144, %parallel_loop3A_194 : vector<16xi32>
      %parallel_loop3A_196 = tpu.vector_load_idx %arg7[%parallel_loop3A_195] : memref<32768xf32, #tpu.memory_space<vmem>>[vector<16xi32>], vector<16xf32>,
      %parallel_loop3A_197 = arith.constant 128 : i32
      %parallel_loop3A_198 = arith.addi %parallel_loop3A_187, %parallel_loop3A_197 : i32
      %parallel_loop3A_199 = arith.index_cast %parallel_loop3A_198 : i32 to index
      %parallel_loop3A_200 = tpu.vector_load %arg10[%parallel_loop3A_199] {strides = array<i32>} : memref<16384xf32, #tpu.memory_space<vmem>>, vector<16xf32>,
      tpu.vector_store %arg10[%parallel_loop3A_199], %parallel_loop3A_196 {strides = array<i32>} : memref<16384xf32, #tpu.memory_space<vmem>>, vector<16xf32>,
      %parallel_loop3A_201 = arith.constant 256 : i32
      %parallel_loop3A_202 = vector.broadcast %parallel_loop3A_201 : i32 to vector<16xi32>
      %parallel_loop3A_203 = arith.addi %parallel_loop3A_144, %parallel_loop3A_202 : vector<16xi32>
      %parallel_loop3A_204 = tpu.vector_load_idx %arg7[%parallel_loop3A_203] : memref<32768xf32, #tpu.memory_space<vmem>>[vector<16xi32>], vector<16xf32>,
      %parallel_loop3A_205 = arith.constant 256 : i32
      %parallel_loop3A_206 = arith.addi %parallel_loop3A_187, %parallel_loop3A_205 : i32
      %parallel_loop3A_207 = arith.index_cast %parallel_loop3A_206 : i32 to index
      %parallel_loop3A_208 = tpu.vector_load %arg10[%parallel_loop3A_207] {strides = array<i32>} : memref<16384xf32, #tpu.memory_space<vmem>>, vector<16xf32>,
      tpu.vector_store %arg10[%parallel_loop3A_207], %parallel_loop3A_204 {strides = array<i32>} : memref<16384xf32, #tpu.memory_space<vmem>>, vector<16xf32>,
      %parallel_loop3A_209 = arith.constant 384 : i32
      %parallel_loop3A_210 = vector.broadcast %parallel_loop3A_209 : i32 to vector<16xi32>
      %parallel_loop3A_211 = arith.addi %parallel_loop3A_144, %parallel_loop3A_210 : vector<16xi32>
      %parallel_loop3A_212 = tpu.vector_load_idx %arg7[%parallel_loop3A_211] : memref<32768xf32, #tpu.memory_space<vmem>>[vector<16xi32>], vector<16xf32>,
      %parallel_loop3A_213 = arith.constant 384 : i32
      %parallel_loop3A_214 = arith.addi %parallel_loop3A_187, %parallel_loop3A_213 : i32
      %parallel_loop3A_215 = arith.index_cast %parallel_loop3A_214 : i32 to index
      %parallel_loop3A_216 = tpu.vector_load %arg10[%parallel_loop3A_215] {strides = array<i32>} : memref<16384xf32, #tpu.memory_space<vmem>>, vector<16xf32>,
      tpu.vector_store %arg10[%parallel_loop3A_215], %parallel_loop3A_212 {strides = array<i32>} : memref<16384xf32, #tpu.memory_space<vmem>>, vector<16xf32>,
    } {sc.loop_unroll_factor = 8 : i64, sc.parallel_access}
    %add3A_49 = arith.constant 1 : i32
    %add3A_50 = arith.addi %mul3A_2, %add3A_49 : i32
    %mul3A_51 = arith.constant 32768 : i32
    %mul3A_52 = arith.muli %add3A_50, %mul3A_51 : i32
    %add3A_53 = arith.constant 0 : i32
    %add3A_54 = arith.addi %mul3A_52, %add3A_53 : i32
    %dma_start3A_55 = tpu.memref_slice %arg4[%add3A_54] : memref<4194304xf32, #tpu.memory_space<hbm>> -> memref<16384xf32, #tpu.memory_space<hbm>>
    %dma_start3A_56 = tpu.memref_slice %arg4[%add3A_54] : memref<4194304xf32, #tpu.memory_space<hbm>> -> memref<16384xf32, #tpu.memory_space<hbm>>
    tpu.enqueue_dma source(%arg10 : memref<16384xf32, #tpu.memory_space<vmem>>) target(%dma_start3A_56 : memref<16384xf32, #tpu.memory_space<hbm>>) target_semaphore(%arg16 : memref<!tpu.dma_semaphore, #tpu.memory_space<semaphore_mem>>)
    %dma_wait3A_57 = tpu.memref_slice %arg4[%add3A_22] : memref<4194304xf32, #tpu.memory_space<hbm>> -> memref<16384xf32, #tpu.memory_space<hbm>>
    %dma_wait3A_58 = tpu.memref_slice %arg4[%add3A_22] : memref<4194304xf32, #tpu.memory_space<hbm>> -> memref<16384xf32, #tpu.memory_space<hbm>>
    tpu.wait_dma2 semaphore(%arg14 : memref<!tpu.dma_semaphore, #tpu.memory_space<semaphore_mem>>) src(%arg8 : memref<16384xf32, #tpu.memory_space<vmem>>) dst(%dma_wait3A_58 : memref<16384xf32, #tpu.memory_space<hbm>>)
    %parallel_loop3A_59 = arith.constant 0 : i32
    %parallel_loop3A_60 = arith.constant 4096 : i32
    %parallel_loop3A_61 = arith.constant 16 : i32
    scf.for %parallel_loop3A_140 = %parallel_loop3A_59 to %parallel_loop3A_60 step %parallel_loop3A_61  : i32 {
      %parallel_loop3A_141 = arith.constant 4096 : i32
      %parallel_loop3A_142 = arith.addi %parallel_loop3A_141, %parallel_loop3A_140 : i32
      %parallel_loop3A_143 = arith.index_cast %parallel_loop3A_142 : i32 to index
      %parallel_loop3A_144 = tpu.vector_load %arg5[%parallel_loop3A_143] {strides = array<i32>} : memref<8192xi32, #tpu.memory_space<vmem>>, vector<16xi32>,
      %parallel_loop3A_145 = arith.constant 128 : i32
      %parallel_loop3A_146 = arith.divsi %parallel_loop3A_140, %parallel_loop3A_145 : i32
      %parallel_loop3A_147 = arith.constant 0 : i32
      %parallel_loop3A_148 = arith.cmpi sgt, %parallel_loop3A_140, %parallel_loop3A_147 : i32
      %parallel_loop3A_149 = arith.extui %parallel_loop3A_148 : i1 to i32
      %parallel_loop3A_150 = arith.constant 0 : i32
      %parallel_loop3A_151 = arith.cmpi slt, %parallel_loop3A_140, %parallel_loop3A_150 : i32
      %parallel_loop3A_152 = arith.extui %parallel_loop3A_151 : i1 to i32
      %parallel_loop3A_153 = arith.subi %parallel_loop3A_149, %parallel_loop3A_152 : i32
      %parallel_loop3A_154 = arith.constant 0 : i32
      %parallel_loop3A_155 = arith.cmpi sgt, %parallel_loop3A_145, %parallel_loop3A_154 : i32
      %parallel_loop3A_156 = arith.extui %parallel_loop3A_155 : i1 to i32
      %parallel_loop3A_157 = arith.constant 0 : i32
      %parallel_loop3A_158 = arith.cmpi slt, %parallel_loop3A_145, %parallel_loop3A_157 : i32
      %parallel_loop3A_159 = arith.extui %parallel_loop3A_158 : i1 to i32
      %parallel_loop3A_160 = arith.subi %parallel_loop3A_156, %parallel_loop3A_159 : i32
      %parallel_loop3A_161 = arith.cmpi ne, %parallel_loop3A_153, %parallel_loop3A_160 : i32
      %parallel_loop3A_162 = arith.remsi %parallel_loop3A_140, %parallel_loop3A_145 : i32
      %parallel_loop3A_163 = arith.constant 0 : i32
      %parallel_loop3A_164 = arith.cmpi ne, %parallel_loop3A_162, %parallel_loop3A_163 : i32
      %parallel_loop3A_165 = arith.andi %parallel_loop3A_161, %parallel_loop3A_164 : i1
      %parallel_loop3A_166 = arith.constant 1 : i32
      %parallel_loop3A_167 = arith.subi %parallel_loop3A_146, %parallel_loop3A_166 : i32
      %parallel_loop3A_168 = arith.select %parallel_loop3A_165, %parallel_loop3A_167, %parallel_loop3A_146 : i32
      %parallel_loop3A_169 = arith.constant 512 : i32
      %parallel_loop3A_170 = arith.muli %parallel_loop3A_168, %parallel_loop3A_169 : i32
      %parallel_loop3A_171 = arith.constant 128 : i32
      %parallel_loop3A_172 = arith.constant 0 : i32
      %parallel_loop3A_173 = arith.cmpi eq, %parallel_loop3A_171, %parallel_loop3A_172 : i32
      %parallel_loop3A_174 = arith.constant 1 : i32
      %parallel_loop3A_175 = arith.select %parallel_loop3A_173, %parallel_loop3A_174, %parallel_loop3A_171 : i32
      %parallel_loop3A_176 = arith.remsi %parallel_loop3A_140, %parallel_loop3A_175 : i32
      %parallel_loop3A_177 = arith.constant 0 : i32
      %parallel_loop3A_178 = arith.cmpi ne, %parallel_loop3A_176, %parallel_loop3A_177 : i32
      %parallel_loop3A_179 = arith.constant 0 : i32
      %parallel_loop3A_180 = arith.cmpi slt, %parallel_loop3A_176, %parallel_loop3A_179 : i32
      %parallel_loop3A_181 = arith.constant 0 : i32
      %parallel_loop3A_182 = arith.cmpi slt, %parallel_loop3A_175, %parallel_loop3A_181 : i32
      %parallel_loop3A_183 = arith.xori %parallel_loop3A_180, %parallel_loop3A_182 : i1
      %parallel_loop3A_184 = arith.andi %parallel_loop3A_183, %parallel_loop3A_178 : i1
      %parallel_loop3A_185 = arith.addi %parallel_loop3A_176, %parallel_loop3A_175 : i32
      %parallel_loop3A_186 = arith.select %parallel_loop3A_184, %parallel_loop3A_185, %parallel_loop3A_176 : i32
      %parallel_loop3A_187 = arith.addi %parallel_loop3A_170, %parallel_loop3A_186 : i32
      %parallel_loop3A_188 = tpu.vector_load_idx %arg7[%parallel_loop3A_144] : memref<32768xf32, #tpu.memory_space<vmem>>[vector<16xi32>], vector<16xf32>,
      %parallel_loop3A_189 = arith.constant 0 : i32
      %parallel_loop3A_190 = arith.addi %parallel_loop3A_187, %parallel_loop3A_189 : i32
      %parallel_loop3A_191 = arith.index_cast %parallel_loop3A_190 : i32 to index
      %parallel_loop3A_192 = tpu.vector_load %arg8[%parallel_loop3A_191] {strides = array<i32>} : memref<16384xf32, #tpu.memory_space<vmem>>, vector<16xf32>,
      tpu.vector_store %arg8[%parallel_loop3A_191], %parallel_loop3A_188 {strides = array<i32>} : memref<16384xf32, #tpu.memory_space<vmem>>, vector<16xf32>,
      %parallel_loop3A_193 = arith.constant 128 : i32
      %parallel_loop3A_194 = vector.broadcast %parallel_loop3A_193 : i32 to vector<16xi32>
      %parallel_loop3A_195 = arith.addi %parallel_loop3A_144, %parallel_loop3A_194 : vector<16xi32>
      %parallel_loop3A_196 = tpu.vector_load_idx %arg7[%parallel_loop3A_195] : memref<32768xf32, #tpu.memory_space<vmem>>[vector<16xi32>], vector<16xf32>,
      %parallel_loop3A_197 = arith.constant 128 : i32
      %parallel_loop3A_198 = arith.addi %parallel_loop3A_187, %parallel_loop3A_197 : i32
      %parallel_loop3A_199 = arith.index_cast %parallel_loop3A_198 : i32 to index
      %parallel_loop3A_200 = tpu.vector_load %arg8[%parallel_loop3A_199] {strides = array<i32>} : memref<16384xf32, #tpu.memory_space<vmem>>, vector<16xf32>,
      tpu.vector_store %arg8[%parallel_loop3A_199], %parallel_loop3A_196 {strides = array<i32>} : memref<16384xf32, #tpu.memory_space<vmem>>, vector<16xf32>,
      %parallel_loop3A_201 = arith.constant 256 : i32
      %parallel_loop3A_202 = vector.broadcast %parallel_loop3A_201 : i32 to vector<16xi32>
      %parallel_loop3A_203 = arith.addi %parallel_loop3A_144, %parallel_loop3A_202 : vector<16xi32>
      %parallel_loop3A_204 = tpu.vector_load_idx %arg7[%parallel_loop3A_203] : memref<32768xf32, #tpu.memory_space<vmem>>[vector<16xi32>], vector<16xf32>,
      %parallel_loop3A_205 = arith.constant 256 : i32
      %parallel_loop3A_206 = arith.addi %parallel_loop3A_187, %parallel_loop3A_205 : i32
      %parallel_loop3A_207 = arith.index_cast %parallel_loop3A_206 : i32 to index
      %parallel_loop3A_208 = tpu.vector_load %arg8[%parallel_loop3A_207] {strides = array<i32>} : memref<16384xf32, #tpu.memory_space<vmem>>, vector<16xf32>,
      tpu.vector_store %arg8[%parallel_loop3A_207], %parallel_loop3A_204 {strides = array<i32>} : memref<16384xf32, #tpu.memory_space<vmem>>, vector<16xf32>,
      %parallel_loop3A_209 = arith.constant 384 : i32
      %parallel_loop3A_210 = vector.broadcast %parallel_loop3A_209 : i32 to vector<16xi32>
      %parallel_loop3A_211 = arith.addi %parallel_loop3A_144, %parallel_loop3A_210 : vector<16xi32>
      %parallel_loop3A_212 = tpu.vector_load_idx %arg7[%parallel_loop3A_211] : memref<32768xf32, #tpu.memory_space<vmem>>[vector<16xi32>], vector<16xf32>,
      %parallel_loop3A_213 = arith.constant 384 : i32
      %parallel_loop3A_214 = arith.addi %parallel_loop3A_187, %parallel_loop3A_213 : i32
      %parallel_loop3A_215 = arith.index_cast %parallel_loop3A_214 : i32 to index
      %parallel_loop3A_216 = tpu.vector_load %arg8[%parallel_loop3A_215] {strides = array<i32>} : memref<16384xf32, #tpu.memory_space<vmem>>, vector<16xf32>,
      tpu.vector_store %arg8[%parallel_loop3A_215], %parallel_loop3A_212 {strides = array<i32>} : memref<16384xf32, #tpu.memory_space<vmem>>, vector<16xf32>,
    } {sc.loop_unroll_factor = 8 : i64, sc.parallel_access}
    %add3A_62 = arith.constant 1 : i32
    %add3A_63 = arith.addi %mul3A_2, %add3A_62 : i32
    %mul3A_64 = arith.constant 32768 : i32
    %mul3A_65 = arith.muli %add3A_63, %mul3A_64 : i32
    %add3A_66 = arith.constant 16384 : i32
    %add3A_67 = arith.addi %mul3A_65, %add3A_66 : i32
    %dma_start3A_68 = tpu.memref_slice %arg4[%add3A_67] : memref<4194304xf32, #tpu.memory_space<hbm>> -> memref<16384xf32, #tpu.memory_space<hbm>>
    %dma_start3A_69 = tpu.memref_slice %arg4[%add3A_67] : memref<4194304xf32, #tpu.memory_space<hbm>> -> memref<16384xf32, #tpu.memory_space<hbm>>
    tpu.enqueue_dma source(%arg8 : memref<16384xf32, #tpu.memory_space<vmem>>) target(%dma_start3A_69 : memref<16384xf32, #tpu.memory_space<hbm>>) target_semaphore(%arg14 : memref<!tpu.dma_semaphore, #tpu.memory_space<semaphore_mem>>)
    %dma_wait3A_70 = tpu.memref_slice %arg2[%mul3A_43] : memref<4194304xf32, #tpu.memory_space<hbm>> -> memref<32768xf32, #tpu.memory_space<hbm>>
    %dma_wait3A_71 = tpu.memref_slice %arg2[%mul3A_43] : memref<4194304xf32, #tpu.memory_space<hbm>> -> memref<32768xf32, #tpu.memory_space<hbm>>
    tpu.wait_dma2 semaphore(%arg12 : memref<!tpu.dma_semaphore, #tpu.memory_space<semaphore_mem>>) src(%dma_wait3A_71 : memref<32768xf32, #tpu.memory_space<hbm>>) dst(%arg6 : memref<32768xf32, #tpu.memory_space<vmem>>)
    %add3A_72 = arith.constant 2 : i32
    %add3A_73 = arith.addi %mul3A_2, %add3A_72 : i32
    %add3A_74 = arith.constant 1 : i32
    %add3A_75 = arith.addi %add3A_73, %add3A_74 : i32
    %mul3A_76 = arith.constant 32768 : i32
    %mul3A_77 = arith.muli %add3A_75, %mul3A_76 : i32
    %dma_start3A_78 = tpu.memref_slice %arg2[%mul3A_77] : memref<4194304xf32, #tpu.memory_space<hbm>> -> memref<32768xf32, #tpu.memory_space<hbm>>
    %dma_start3A_79 = tpu.memref_slice %arg2[%mul3A_77] : memref<4194304xf32, #tpu.memory_space<hbm>> -> memref<32768xf32, #tpu.memory_space<hbm>>
    tpu.enqueue_dma source(%dma_start3A_79 : memref<32768xf32, #tpu.memory_space<hbm>>) target(%arg7 : memref<32768xf32, #tpu.memory_space<vmem>>) target_semaphore(%arg13 : memref<!tpu.dma_semaphore, #tpu.memory_space<semaphore_mem>>)
    %dma_wait3A_80 = tpu.memref_slice %arg4[%add3A_33] : memref<4194304xf32, #tpu.memory_space<hbm>> -> memref<16384xf32, #tpu.memory_space<hbm>>
    %dma_wait3A_81 = tpu.memref_slice %arg4[%add3A_33] : memref<4194304xf32, #tpu.memory_space<hbm>> -> memref<16384xf32, #tpu.memory_space<hbm>>
    tpu.wait_dma2 semaphore(%arg15 : memref<!tpu.dma_semaphore, #tpu.memory_space<semaphore_mem>>) src(%arg9 : memref<16384xf32, #tpu.memory_space<vmem>>) dst(%dma_wait3A_81 : memref<16384xf32, #tpu.memory_space<hbm>>)
    %parallel_loop3A_82 = arith.constant 0 : i32
    %parallel_loop3A_83 = arith.constant 4096 : i32
    %parallel_loop3A_84 = arith.constant 16 : i32
    scf.for %parallel_loop3A_140 = %parallel_loop3A_82 to %parallel_loop3A_83 step %parallel_loop3A_84  : i32 {
      %parallel_loop3A_141 = arith.constant 0 : i32
      %parallel_loop3A_142 = arith.addi %parallel_loop3A_141, %parallel_loop3A_140 : i32
      %parallel_loop3A_143 = arith.index_cast %parallel_loop3A_142 : i32 to index
      %parallel_loop3A_144 = tpu.vector_load %arg5[%parallel_loop3A_143] {strides = array<i32>} : memref<8192xi32, #tpu.memory_space<vmem>>, vector<16xi32>,
      %parallel_loop3A_145 = arith.constant 128 : i32
      %parallel_loop3A_146 = arith.divsi %parallel_loop3A_140, %parallel_loop3A_145 : i32
      %parallel_loop3A_147 = arith.constant 0 : i32
      %parallel_loop3A_148 = arith.cmpi sgt, %parallel_loop3A_140, %parallel_loop3A_147 : i32
      %parallel_loop3A_149 = arith.extui %parallel_loop3A_148 : i1 to i32
      %parallel_loop3A_150 = arith.constant 0 : i32
      %parallel_loop3A_151 = arith.cmpi slt, %parallel_loop3A_140, %parallel_loop3A_150 : i32
      %parallel_loop3A_152 = arith.extui %parallel_loop3A_151 : i1 to i32
      %parallel_loop3A_153 = arith.subi %parallel_loop3A_149, %parallel_loop3A_152 : i32
      %parallel_loop3A_154 = arith.constant 0 : i32
      %parallel_loop3A_155 = arith.cmpi sgt, %parallel_loop3A_145, %parallel_loop3A_154 : i32
      %parallel_loop3A_156 = arith.extui %parallel_loop3A_155 : i1 to i32
      %parallel_loop3A_157 = arith.constant 0 : i32
      %parallel_loop3A_158 = arith.cmpi slt, %parallel_loop3A_145, %parallel_loop3A_157 : i32
      %parallel_loop3A_159 = arith.extui %parallel_loop3A_158 : i1 to i32
      %parallel_loop3A_160 = arith.subi %parallel_loop3A_156, %parallel_loop3A_159 : i32
      %parallel_loop3A_161 = arith.cmpi ne, %parallel_loop3A_153, %parallel_loop3A_160 : i32
      %parallel_loop3A_162 = arith.remsi %parallel_loop3A_140, %parallel_loop3A_145 : i32
      %parallel_loop3A_163 = arith.constant 0 : i32
      %parallel_loop3A_164 = arith.cmpi ne, %parallel_loop3A_162, %parallel_loop3A_163 : i32
      %parallel_loop3A_165 = arith.andi %parallel_loop3A_161, %parallel_loop3A_164 : i1
      %parallel_loop3A_166 = arith.constant 1 : i32
      %parallel_loop3A_167 = arith.subi %parallel_loop3A_146, %parallel_loop3A_166 : i32
      %parallel_loop3A_168 = arith.select %parallel_loop3A_165, %parallel_loop3A_167, %parallel_loop3A_146 : i32
      %parallel_loop3A_169 = arith.constant 512 : i32
      %parallel_loop3A_170 = arith.muli %parallel_loop3A_168, %parallel_loop3A_169 : i32
      %parallel_loop3A_171 = arith.constant 128 : i32
      %parallel_loop3A_172 = arith.constant 0 : i32
      %parallel_loop3A_173 = arith.cmpi eq, %parallel_loop3A_171, %parallel_loop3A_172 : i32
      %parallel_loop3A_174 = arith.constant 1 : i32
      %parallel_loop3A_175 = arith.select %parallel_loop3A_173, %parallel_loop3A_174, %parallel_loop3A_171 : i32
      %parallel_loop3A_176 = arith.remsi %parallel_loop3A_140, %parallel_loop3A_175 : i32
      %parallel_loop3A_177 = arith.constant 0 : i32
      %parallel_loop3A_178 = arith.cmpi ne, %parallel_loop3A_176, %parallel_loop3A_177 : i32
      %parallel_loop3A_179 = arith.constant 0 : i32
      %parallel_loop3A_180 = arith.cmpi slt, %parallel_loop3A_176, %parallel_loop3A_179 : i32
      %parallel_loop3A_181 = arith.constant 0 : i32
      %parallel_loop3A_182 = arith.cmpi slt, %parallel_loop3A_175, %parallel_loop3A_181 : i32
      %parallel_loop3A_183 = arith.xori %parallel_loop3A_180, %parallel_loop3A_182 : i1
      %parallel_loop3A_184 = arith.andi %parallel_loop3A_183, %parallel_loop3A_178 : i1
      %parallel_loop3A_185 = arith.addi %parallel_loop3A_176, %parallel_loop3A_175 : i32
      %parallel_loop3A_186 = arith.select %parallel_loop3A_184, %parallel_loop3A_185, %parallel_loop3A_176 : i32
      %parallel_loop3A_187 = arith.addi %parallel_loop3A_170, %parallel_loop3A_186 : i32
      %parallel_loop3A_188 = tpu.vector_load_idx %arg6[%parallel_loop3A_144] : memref<32768xf32, #tpu.memory_space<vmem>>[vector<16xi32>], vector<16xf32>,
      %parallel_loop3A_189 = arith.constant 0 : i32
      %parallel_loop3A_190 = arith.addi %parallel_loop3A_187, %parallel_loop3A_189 : i32
      %parallel_loop3A_191 = arith.index_cast %parallel_loop3A_190 : i32 to index
      %parallel_loop3A_192 = tpu.vector_load %arg9[%parallel_loop3A_191] {strides = array<i32>} : memref<16384xf32, #tpu.memory_space<vmem>>, vector<16xf32>,
      tpu.vector_store %arg9[%parallel_loop3A_191], %parallel_loop3A_188 {strides = array<i32>} : memref<16384xf32, #tpu.memory_space<vmem>>, vector<16xf32>,
      %parallel_loop3A_193 = arith.constant 128 : i32
      %parallel_loop3A_194 = vector.broadcast %parallel_loop3A_193 : i32 to vector<16xi32>
      %parallel_loop3A_195 = arith.addi %parallel_loop3A_144, %parallel_loop3A_194 : vector<16xi32>
      %parallel_loop3A_196 = tpu.vector_load_idx %arg6[%parallel_loop3A_195] : memref<32768xf32, #tpu.memory_space<vmem>>[vector<16xi32>], vector<16xf32>,
      %parallel_loop3A_197 = arith.constant 128 : i32
      %parallel_loop3A_198 = arith.addi %parallel_loop3A_187, %parallel_loop3A_197 : i32
      %parallel_loop3A_199 = arith.index_cast %parallel_loop3A_198 : i32 to index
      %parallel_loop3A_200 = tpu.vector_load %arg9[%parallel_loop3A_199] {strides = array<i32>} : memref<16384xf32, #tpu.memory_space<vmem>>, vector<16xf32>,
      tpu.vector_store %arg9[%parallel_loop3A_199], %parallel_loop3A_196 {strides = array<i32>} : memref<16384xf32, #tpu.memory_space<vmem>>, vector<16xf32>,
      %parallel_loop3A_201 = arith.constant 256 : i32
      %parallel_loop3A_202 = vector.broadcast %parallel_loop3A_201 : i32 to vector<16xi32>
      %parallel_loop3A_203 = arith.addi %parallel_loop3A_144, %parallel_loop3A_202 : vector<16xi32>
      %parallel_loop3A_204 = tpu.vector_load_idx %arg6[%parallel_loop3A_203] : memref<32768xf32, #tpu.memory_space<vmem>>[vector<16xi32>], vector<16xf32>,
      %parallel_loop3A_205 = arith.constant 256 : i32
      %parallel_loop3A_206 = arith.addi %parallel_loop3A_187, %parallel_loop3A_205 : i32
      %parallel_loop3A_207 = arith.index_cast %parallel_loop3A_206 : i32 to index
      %parallel_loop3A_208 = tpu.vector_load %arg9[%parallel_loop3A_207] {strides = array<i32>} : memref<16384xf32, #tpu.memory_space<vmem>>, vector<16xf32>,
      tpu.vector_store %arg9[%parallel_loop3A_207], %parallel_loop3A_204 {strides = array<i32>} : memref<16384xf32, #tpu.memory_space<vmem>>, vector<16xf32>,
      %parallel_loop3A_209 = arith.constant 384 : i32
      %parallel_loop3A_210 = vector.broadcast %parallel_loop3A_209 : i32 to vector<16xi32>
      %parallel_loop3A_211 = arith.addi %parallel_loop3A_144, %parallel_loop3A_210 : vector<16xi32>
      %parallel_loop3A_212 = tpu.vector_load_idx %arg6[%parallel_loop3A_211] : memref<32768xf32, #tpu.memory_space<vmem>>[vector<16xi32>], vector<16xf32>,
      %parallel_loop3A_213 = arith.constant 384 : i32
      %parallel_loop3A_214 = arith.addi %parallel_loop3A_187, %parallel_loop3A_213 : i32
      %parallel_loop3A_215 = arith.index_cast %parallel_loop3A_214 : i32 to index
      %parallel_loop3A_216 = tpu.vector_load %arg9[%parallel_loop3A_215] {strides = array<i32>} : memref<16384xf32, #tpu.memory_space<vmem>>, vector<16xf32>,
      tpu.vector_store %arg9[%parallel_loop3A_215], %parallel_loop3A_212 {strides = array<i32>} : memref<16384xf32, #tpu.memory_space<vmem>>, vector<16xf32>,
    } {sc.loop_unroll_factor = 8 : i64, sc.parallel_access}
    %add3A_85 = arith.constant 2 : i32
    %add3A_86 = arith.addi %mul3A_2, %add3A_85 : i32
    %mul3A_87 = arith.constant 32768 : i32
    %mul3A_88 = arith.muli %add3A_86, %mul3A_87 : i32
    %add3A_89 = arith.constant 0 : i32
    %add3A_90 = arith.addi %mul3A_88, %add3A_89 : i32
    %dma_start3A_91 = tpu.memref_slice %arg4[%add3A_90] : memref<4194304xf32, #tpu.memory_space<hbm>> -> memref<16384xf32, #tpu.memory_space<hbm>>
    %dma_start3A_92 = tpu.memref_slice %arg4[%add3A_90] : memref<4194304xf32, #tpu.memory_space<hbm>> -> memref<16384xf32, #tpu.memory_space<hbm>>
    tpu.enqueue_dma source(%arg9 : memref<16384xf32, #tpu.memory_space<vmem>>) target(%dma_start3A_92 : memref<16384xf32, #tpu.memory_space<hbm>>) target_semaphore(%arg15 : memref<!tpu.dma_semaphore, #tpu.memory_space<semaphore_mem>>)
    %dma_wait3A_93 = tpu.memref_slice %arg4[%add3A_54] : memref<4194304xf32, #tpu.memory_space<hbm>> -> memref<16384xf32, #tpu.memory_space<hbm>>
    %dma_wait3A_94 = tpu.memref_slice %arg4[%add3A_54] : memref<4194304xf32, #tpu.memory_space<hbm>> -> memref<16384xf32, #tpu.memory_space<hbm>>
    tpu.wait_dma2 semaphore(%arg16 : memref<!tpu.dma_semaphore, #tpu.memory_space<semaphore_mem>>) src(%arg10 : memref<16384xf32, #tpu.memory_space<vmem>>) dst(%dma_wait3A_94 : memref<16384xf32, #tpu.memory_space<hbm>>)
    %parallel_loop3A_95 = arith.constant 0 : i32
    %parallel_loop3A_96 = arith.constant 4096 : i32
    %parallel_loop3A_97 = arith.constant 16 : i32
    scf.for %parallel_loop3A_140 = %parallel_loop3A_95 to %parallel_loop3A_96 step %parallel_loop3A_97  : i32 {
      %parallel_loop3A_141 = arith.constant 4096 : i32
      %parallel_loop3A_142 = arith.addi %parallel_loop3A_141, %parallel_loop3A_140 : i32
      %parallel_loop3A_143 = arith.index_cast %parallel_loop3A_142 : i32 to index
      %parallel_loop3A_144 = tpu.vector_load %arg5[%parallel_loop3A_143] {strides = array<i32>} : memref<8192xi32, #tpu.memory_space<vmem>>, vector<16xi32>,
      %parallel_loop3A_145 = arith.constant 128 : i32
      %parallel_loop3A_146 = arith.divsi %parallel_loop3A_140, %parallel_loop3A_145 : i32
      %parallel_loop3A_147 = arith.constant 0 : i32
      %parallel_loop3A_148 = arith.cmpi sgt, %parallel_loop3A_140, %parallel_loop3A_147 : i32
      %parallel_loop3A_149 = arith.extui %parallel_loop3A_148 : i1 to i32
      %parallel_loop3A_150 = arith.constant 0 : i32
      %parallel_loop3A_151 = arith.cmpi slt, %parallel_loop3A_140, %parallel_loop3A_150 : i32
      %parallel_loop3A_152 = arith.extui %parallel_loop3A_151 : i1 to i32
      %parallel_loop3A_153 = arith.subi %parallel_loop3A_149, %parallel_loop3A_152 : i32
      %parallel_loop3A_154 = arith.constant 0 : i32
      %parallel_loop3A_155 = arith.cmpi sgt, %parallel_loop3A_145, %parallel_loop3A_154 : i32
      %parallel_loop3A_156 = arith.extui %parallel_loop3A_155 : i1 to i32
      %parallel_loop3A_157 = arith.constant 0 : i32
      %parallel_loop3A_158 = arith.cmpi slt, %parallel_loop3A_145, %parallel_loop3A_157 : i32
      %parallel_loop3A_159 = arith.extui %parallel_loop3A_158 : i1 to i32
      %parallel_loop3A_160 = arith.subi %parallel_loop3A_156, %parallel_loop3A_159 : i32
      %parallel_loop3A_161 = arith.cmpi ne, %parallel_loop3A_153, %parallel_loop3A_160 : i32
      %parallel_loop3A_162 = arith.remsi %parallel_loop3A_140, %parallel_loop3A_145 : i32
      %parallel_loop3A_163 = arith.constant 0 : i32
      %parallel_loop3A_164 = arith.cmpi ne, %parallel_loop3A_162, %parallel_loop3A_163 : i32
      %parallel_loop3A_165 = arith.andi %parallel_loop3A_161, %parallel_loop3A_164 : i1
      %parallel_loop3A_166 = arith.constant 1 : i32
      %parallel_loop3A_167 = arith.subi %parallel_loop3A_146, %parallel_loop3A_166 : i32
      %parallel_loop3A_168 = arith.select %parallel_loop3A_165, %parallel_loop3A_167, %parallel_loop3A_146 : i32
      %parallel_loop3A_169 = arith.constant 512 : i32
      %parallel_loop3A_170 = arith.muli %parallel_loop3A_168, %parallel_loop3A_169 : i32
      %parallel_loop3A_171 = arith.constant 128 : i32
      %parallel_loop3A_172 = arith.constant 0 : i32
      %parallel_loop3A_173 = arith.cmpi eq, %parallel_loop3A_171, %parallel_loop3A_172 : i32
      %parallel_loop3A_174 = arith.constant 1 : i32
      %parallel_loop3A_175 = arith.select %parallel_loop3A_173, %parallel_loop3A_174, %parallel_loop3A_171 : i32
      %parallel_loop3A_176 = arith.remsi %parallel_loop3A_140, %parallel_loop3A_175 : i32
      %parallel_loop3A_177 = arith.constant 0 : i32
      %parallel_loop3A_178 = arith.cmpi ne, %parallel_loop3A_176, %parallel_loop3A_177 : i32
      %parallel_loop3A_179 = arith.constant 0 : i32
      %parallel_loop3A_180 = arith.cmpi slt, %parallel_loop3A_176, %parallel_loop3A_179 : i32
      %parallel_loop3A_181 = arith.constant 0 : i32
      %parallel_loop3A_182 = arith.cmpi slt, %parallel_loop3A_175, %parallel_loop3A_181 : i32
      %parallel_loop3A_183 = arith.xori %parallel_loop3A_180, %parallel_loop3A_182 : i1
      %parallel_loop3A_184 = arith.andi %parallel_loop3A_183, %parallel_loop3A_178 : i1
      %parallel_loop3A_185 = arith.addi %parallel_loop3A_176, %parallel_loop3A_175 : i32
      %parallel_loop3A_186 = arith.select %parallel_loop3A_184, %parallel_loop3A_185, %parallel_loop3A_176 : i32
      %parallel_loop3A_187 = arith.addi %parallel_loop3A_170, %parallel_loop3A_186 : i32
      %parallel_loop3A_188 = tpu.vector_load_idx %arg6[%parallel_loop3A_144] : memref<32768xf32, #tpu.memory_space<vmem>>[vector<16xi32>], vector<16xf32>,
      %parallel_loop3A_189 = arith.constant 0 : i32
      %parallel_loop3A_190 = arith.addi %parallel_loop3A_187, %parallel_loop3A_189 : i32
      %parallel_loop3A_191 = arith.index_cast %parallel_loop3A_190 : i32 to index
      %parallel_loop3A_192 = tpu.vector_load %arg10[%parallel_loop3A_191] {strides = array<i32>} : memref<16384xf32, #tpu.memory_space<vmem>>, vector<16xf32>,
      tpu.vector_store %arg10[%parallel_loop3A_191], %parallel_loop3A_188 {strides = array<i32>} : memref<16384xf32, #tpu.memory_space<vmem>>, vector<16xf32>,
      %parallel_loop3A_193 = arith.constant 128 : i32
      %parallel_loop3A_194 = vector.broadcast %parallel_loop3A_193 : i32 to vector<16xi32>
      %parallel_loop3A_195 = arith.addi %parallel_loop3A_144, %parallel_loop3A_194 : vector<16xi32>
      %parallel_loop3A_196 = tpu.vector_load_idx %arg6[%parallel_loop3A_195] : memref<32768xf32, #tpu.memory_space<vmem>>[vector<16xi32>], vector<16xf32>,
      %parallel_loop3A_197 = arith.constant 128 : i32
      %parallel_loop3A_198 = arith.addi %parallel_loop3A_187, %parallel_loop3A_197 : i32
      %parallel_loop3A_199 = arith.index_cast %parallel_loop3A_198 : i32 to index
      %parallel_loop3A_200 = tpu.vector_load %arg10[%parallel_loop3A_199] {strides = array<i32>} : memref<16384xf32, #tpu.memory_space<vmem>>, vector<16xf32>,
      tpu.vector_store %arg10[%parallel_loop3A_199], %parallel_loop3A_196 {strides = array<i32>} : memref<16384xf32, #tpu.memory_space<vmem>>, vector<16xf32>,
      %parallel_loop3A_201 = arith.constant 256 : i32
      %parallel_loop3A_202 = vector.broadcast %parallel_loop3A_201 : i32 to vector<16xi32>
      %parallel_loop3A_203 = arith.addi %parallel_loop3A_144, %parallel_loop3A_202 : vector<16xi32>
      %parallel_loop3A_204 = tpu.vector_load_idx %arg6[%parallel_loop3A_203] : memref<32768xf32, #tpu.memory_space<vmem>>[vector<16xi32>], vector<16xf32>,
      %parallel_loop3A_205 = arith.constant 256 : i32
      %parallel_loop3A_206 = arith.addi %parallel_loop3A_187, %parallel_loop3A_205 : i32
      %parallel_loop3A_207 = arith.index_cast %parallel_loop3A_206 : i32 to index
      %parallel_loop3A_208 = tpu.vector_load %arg10[%parallel_loop3A_207] {strides = array<i32>} : memref<16384xf32, #tpu.memory_space<vmem>>, vector<16xf32>,
      tpu.vector_store %arg10[%parallel_loop3A_207], %parallel_loop3A_204 {strides = array<i32>} : memref<16384xf32, #tpu.memory_space<vmem>>, vector<16xf32>,
      %parallel_loop3A_209 = arith.constant 384 : i32
      %parallel_loop3A_210 = vector.broadcast %parallel_loop3A_209 : i32 to vector<16xi32>
      %parallel_loop3A_211 = arith.addi %parallel_loop3A_144, %parallel_loop3A_210 : vector<16xi32>
      %parallel_loop3A_212 = tpu.vector_load_idx %arg6[%parallel_loop3A_211] : memref<32768xf32, #tpu.memory_space<vmem>>[vector<16xi32>], vector<16xf32>,
      %parallel_loop3A_213 = arith.constant 384 : i32
      %parallel_loop3A_214 = arith.addi %parallel_loop3A_187, %parallel_loop3A_213 : i32
      %parallel_loop3A_215 = arith.index_cast %parallel_loop3A_214 : i32 to index
      %parallel_loop3A_216 = tpu.vector_load %arg10[%parallel_loop3A_215] {strides = array<i32>} : memref<16384xf32, #tpu.memory_space<vmem>>, vector<16xf32>,
      tpu.vector_store %arg10[%parallel_loop3A_215], %parallel_loop3A_212 {strides = array<i32>} : memref<16384xf32, #tpu.memory_space<vmem>>, vector<16xf32>,
    } {sc.loop_unroll_factor = 8 : i64, sc.parallel_access}
    %add3A_98 = arith.constant 2 : i32
    %add3A_99 = arith.addi %mul3A_2, %add3A_98 : i32
    %mul3A_100 = arith.constant 32768 : i32
    %mul3A_101 = arith.muli %add3A_99, %mul3A_100 : i32
    %add3A_102 = arith.constant 16384 : i32
    %add3A_103 = arith.addi %mul3A_101, %add3A_102 : i32
    %dma_start3A_104 = tpu.memref_slice %arg4[%add3A_103] : memref<4194304xf32, #tpu.memory_space<hbm>> -> memref<16384xf32, #tpu.memory_space<hbm>>
    %dma_start3A_105 = tpu.memref_slice %arg4[%add3A_103] : memref<4194304xf32, #tpu.memory_space<hbm>> -> memref<16384xf32, #tpu.memory_space<hbm>>
    tpu.enqueue_dma source(%arg10 : memref<16384xf32, #tpu.memory_space<vmem>>) target(%dma_start3A_105 : memref<16384xf32, #tpu.memory_space<hbm>>) target_semaphore(%arg16 : memref<!tpu.dma_semaphore, #tpu.memory_space<semaphore_mem>>)
    %dma_wait3A_106 = tpu.memref_slice %arg2[%mul3A_77] : memref<4194304xf32, #tpu.memory_space<hbm>> -> memref<32768xf32, #tpu.memory_space<hbm>>
    %dma_wait3A_107 = tpu.memref_slice %arg2[%mul3A_77] : memref<4194304xf32, #tpu.memory_space<hbm>> -> memref<32768xf32, #tpu.memory_space<hbm>>
    tpu.wait_dma2 semaphore(%arg13 : memref<!tpu.dma_semaphore, #tpu.memory_space<semaphore_mem>>) src(%dma_wait3A_107 : memref<32768xf32, #tpu.memory_space<hbm>>) dst(%arg7 : memref<32768xf32, #tpu.memory_space<vmem>>)
    %dma_wait3A_108 = tpu.memref_slice %arg4[%add3A_67] : memref<4194304xf32, #tpu.memory_space<hbm>> -> memref<16384xf32, #tpu.memory_space<hbm>>
    %dma_wait3A_109 = tpu.memref_slice %arg4[%add3A_67] : memref<4194304xf32, #tpu.memory_space<hbm>> -> memref<16384xf32, #tpu.memory_space<hbm>>
    tpu.wait_dma2 semaphore(%arg14 : memref<!tpu.dma_semaphore, #tpu.memory_space<semaphore_mem>>) src(%arg8 : memref<16384xf32, #tpu.memory_space<vmem>>) dst(%dma_wait3A_109 : memref<16384xf32, #tpu.memory_space<hbm>>)
    %parallel_loop3A_110 = arith.constant 0 : i32
    %parallel_loop3A_111 = arith.constant 4096 : i32
    %parallel_loop3A_112 = arith.constant 16 : i32
    scf.for %parallel_loop3A_140 = %parallel_loop3A_110 to %parallel_loop3A_111 step %parallel_loop3A_112  : i32 {
      %parallel_loop3A_141 = arith.constant 0 : i32
      %parallel_loop3A_142 = arith.addi %parallel_loop3A_141, %parallel_loop3A_140 : i32
      %parallel_loop3A_143 = arith.index_cast %parallel_loop3A_142 : i32 to index
      %parallel_loop3A_144 = tpu.vector_load %arg5[%parallel_loop3A_143] {strides = array<i32>} : memref<8192xi32, #tpu.memory_space<vmem>>, vector<16xi32>,
      %parallel_loop3A_145 = arith.constant 128 : i32
      %parallel_loop3A_146 = arith.divsi %parallel_loop3A_140, %parallel_loop3A_145 : i32
      %parallel_loop3A_147 = arith.constant 0 : i32
      %parallel_loop3A_148 = arith.cmpi sgt, %parallel_loop3A_140, %parallel_loop3A_147 : i32
      %parallel_loop3A_149 = arith.extui %parallel_loop3A_148 : i1 to i32
      %parallel_loop3A_150 = arith.constant 0 : i32
      %parallel_loop3A_151 = arith.cmpi slt, %parallel_loop3A_140, %parallel_loop3A_150 : i32
      %parallel_loop3A_152 = arith.extui %parallel_loop3A_151 : i1 to i32
      %parallel_loop3A_153 = arith.subi %parallel_loop3A_149, %parallel_loop3A_152 : i32
      %parallel_loop3A_154 = arith.constant 0 : i32
      %parallel_loop3A_155 = arith.cmpi sgt, %parallel_loop3A_145, %parallel_loop3A_154 : i32
      %parallel_loop3A_156 = arith.extui %parallel_loop3A_155 : i1 to i32
      %parallel_loop3A_157 = arith.constant 0 : i32
      %parallel_loop3A_158 = arith.cmpi slt, %parallel_loop3A_145, %parallel_loop3A_157 : i32
      %parallel_loop3A_159 = arith.extui %parallel_loop3A_158 : i1 to i32
      %parallel_loop3A_160 = arith.subi %parallel_loop3A_156, %parallel_loop3A_159 : i32
      %parallel_loop3A_161 = arith.cmpi ne, %parallel_loop3A_153, %parallel_loop3A_160 : i32
      %parallel_loop3A_162 = arith.remsi %parallel_loop3A_140, %parallel_loop3A_145 : i32
      %parallel_loop3A_163 = arith.constant 0 : i32
      %parallel_loop3A_164 = arith.cmpi ne, %parallel_loop3A_162, %parallel_loop3A_163 : i32
      %parallel_loop3A_165 = arith.andi %parallel_loop3A_161, %parallel_loop3A_164 : i1
      %parallel_loop3A_166 = arith.constant 1 : i32
      %parallel_loop3A_167 = arith.subi %parallel_loop3A_146, %parallel_loop3A_166 : i32
      %parallel_loop3A_168 = arith.select %parallel_loop3A_165, %parallel_loop3A_167, %parallel_loop3A_146 : i32
      %parallel_loop3A_169 = arith.constant 512 : i32
      %parallel_loop3A_170 = arith.muli %parallel_loop3A_168, %parallel_loop3A_169 : i32
      %parallel_loop3A_171 = arith.constant 128 : i32
      %parallel_loop3A_172 = arith.constant 0 : i32
      %parallel_loop3A_173 = arith.cmpi eq, %parallel_loop3A_171, %parallel_loop3A_172 : i32
      %parallel_loop3A_174 = arith.constant 1 : i32
      %parallel_loop3A_175 = arith.select %parallel_loop3A_173, %parallel_loop3A_174, %parallel_loop3A_171 : i32
      %parallel_loop3A_176 = arith.remsi %parallel_loop3A_140, %parallel_loop3A_175 : i32
      %parallel_loop3A_177 = arith.constant 0 : i32
      %parallel_loop3A_178 = arith.cmpi ne, %parallel_loop3A_176, %parallel_loop3A_177 : i32
      %parallel_loop3A_179 = arith.constant 0 : i32
      %parallel_loop3A_180 = arith.cmpi slt, %parallel_loop3A_176, %parallel_loop3A_179 : i32
      %parallel_loop3A_181 = arith.constant 0 : i32
      %parallel_loop3A_182 = arith.cmpi slt, %parallel_loop3A_175, %parallel_loop3A_181 : i32
      %parallel_loop3A_183 = arith.xori %parallel_loop3A_180, %parallel_loop3A_182 : i1
      %parallel_loop3A_184 = arith.andi %parallel_loop3A_183, %parallel_loop3A_178 : i1
      %parallel_loop3A_185 = arith.addi %parallel_loop3A_176, %parallel_loop3A_175 : i32
      %parallel_loop3A_186 = arith.select %parallel_loop3A_184, %parallel_loop3A_185, %parallel_loop3A_176 : i32
      %parallel_loop3A_187 = arith.addi %parallel_loop3A_170, %parallel_loop3A_186 : i32
      %parallel_loop3A_188 = tpu.vector_load_idx %arg7[%parallel_loop3A_144] : memref<32768xf32, #tpu.memory_space<vmem>>[vector<16xi32>], vector<16xf32>,
      %parallel_loop3A_189 = arith.constant 0 : i32
      %parallel_loop3A_190 = arith.addi %parallel_loop3A_187, %parallel_loop3A_189 : i32
      %parallel_loop3A_191 = arith.index_cast %parallel_loop3A_190 : i32 to index
      %parallel_loop3A_192 = tpu.vector_load %arg8[%parallel_loop3A_191] {strides = array<i32>} : memref<16384xf32, #tpu.memory_space<vmem>>, vector<16xf32>,
      tpu.vector_store %arg8[%parallel_loop3A_191], %parallel_loop3A_188 {strides = array<i32>} : memref<16384xf32, #tpu.memory_space<vmem>>, vector<16xf32>,
      %parallel_loop3A_193 = arith.constant 128 : i32
      %parallel_loop3A_194 = vector.broadcast %parallel_loop3A_193 : i32 to vector<16xi32>
      %parallel_loop3A_195 = arith.addi %parallel_loop3A_144, %parallel_loop3A_194 : vector<16xi32>
      %parallel_loop3A_196 = tpu.vector_load_idx %arg7[%parallel_loop3A_195] : memref<32768xf32, #tpu.memory_space<vmem>>[vector<16xi32>], vector<16xf32>,
      %parallel_loop3A_197 = arith.constant 128 : i32
      %parallel_loop3A_198 = arith.addi %parallel_loop3A_187, %parallel_loop3A_197 : i32
      %parallel_loop3A_199 = arith.index_cast %parallel_loop3A_198 : i32 to index
      %parallel_loop3A_200 = tpu.vector_load %arg8[%parallel_loop3A_199] {strides = array<i32>} : memref<16384xf32, #tpu.memory_space<vmem>>, vector<16xf32>,
      tpu.vector_store %arg8[%parallel_loop3A_199], %parallel_loop3A_196 {strides = array<i32>} : memref<16384xf32, #tpu.memory_space<vmem>>, vector<16xf32>,
      %parallel_loop3A_201 = arith.constant 256 : i32
      %parallel_loop3A_202 = vector.broadcast %parallel_loop3A_201 : i32 to vector<16xi32>
      %parallel_loop3A_203 = arith.addi %parallel_loop3A_144, %parallel_loop3A_202 : vector<16xi32>
      %parallel_loop3A_204 = tpu.vector_load_idx %arg7[%parallel_loop3A_203] : memref<32768xf32, #tpu.memory_space<vmem>>[vector<16xi32>], vector<16xf32>,
      %parallel_loop3A_205 = arith.constant 256 : i32
      %parallel_loop3A_206 = arith.addi %parallel_loop3A_187, %parallel_loop3A_205 : i32
      %parallel_loop3A_207 = arith.index_cast %parallel_loop3A_206 : i32 to index
      %parallel_loop3A_208 = tpu.vector_load %arg8[%parallel_loop3A_207] {strides = array<i32>} : memref<16384xf32, #tpu.memory_space<vmem>>, vector<16xf32>,
      tpu.vector_store %arg8[%parallel_loop3A_207], %parallel_loop3A_204 {strides = array<i32>} : memref<16384xf32, #tpu.memory_space<vmem>>, vector<16xf32>,
      %parallel_loop3A_209 = arith.constant 384 : i32
      %parallel_loop3A_210 = vector.broadcast %parallel_loop3A_209 : i32 to vector<16xi32>
      %parallel_loop3A_211 = arith.addi %parallel_loop3A_144, %parallel_loop3A_210 : vector<16xi32>
      %parallel_loop3A_212 = tpu.vector_load_idx %arg7[%parallel_loop3A_211] : memref<32768xf32, #tpu.memory_space<vmem>>[vector<16xi32>], vector<16xf32>,
      %parallel_loop3A_213 = arith.constant 384 : i32
      %parallel_loop3A_214 = arith.addi %parallel_loop3A_187, %parallel_loop3A_213 : i32
      %parallel_loop3A_215 = arith.index_cast %parallel_loop3A_214 : i32 to index
      %parallel_loop3A_216 = tpu.vector_load %arg8[%parallel_loop3A_215] {strides = array<i32>} : memref<16384xf32, #tpu.memory_space<vmem>>, vector<16xf32>,
      tpu.vector_store %arg8[%parallel_loop3A_215], %parallel_loop3A_212 {strides = array<i32>} : memref<16384xf32, #tpu.memory_space<vmem>>, vector<16xf32>,
    } {sc.loop_unroll_factor = 8 : i64, sc.parallel_access}
    %add3A_113 = arith.constant 3 : i32
    %add3A_114 = arith.addi %mul3A_2, %add3A_113 : i32
    %mul3A_115 = arith.constant 32768 : i32
    %mul3A_116 = arith.muli %add3A_114, %mul3A_115 : i32
    %add3A_117 = arith.constant 0 : i32
    %add3A_118 = arith.addi %mul3A_116, %add3A_117 : i32
    %dma_start3A_119 = tpu.memref_slice %arg4[%add3A_118] : memref<4194304xf32, #tpu.memory_space<hbm>> -> memref<16384xf32, #tpu.memory_space<hbm>>
    %dma_start3A_120 = tpu.memref_slice %arg4[%add3A_118] : memref<4194304xf32, #tpu.memory_space<hbm>> -> memref<16384xf32, #tpu.memory_space<hbm>>
    tpu.enqueue_dma source(%arg8 : memref<16384xf32, #tpu.memory_space<vmem>>) target(%dma_start3A_120 : memref<16384xf32, #tpu.memory_space<hbm>>) target_semaphore(%arg14 : memref<!tpu.dma_semaphore, #tpu.memory_space<semaphore_mem>>)
    %dma_wait3A_121 = tpu.memref_slice %arg4[%add3A_90] : memref<4194304xf32, #tpu.memory_space<hbm>> -> memref<16384xf32, #tpu.memory_space<hbm>>
    %dma_wait3A_122 = tpu.memref_slice %arg4[%add3A_90] : memref<4194304xf32, #tpu.memory_space<hbm>> -> memref<16384xf32, #tpu.memory_space<hbm>>
    tpu.wait_dma2 semaphore(%arg15 : memref<!tpu.dma_semaphore, #tpu.memory_space<semaphore_mem>>) src(%arg9 : memref<16384xf32, #tpu.memory_space<vmem>>) dst(%dma_wait3A_122 : memref<16384xf32, #tpu.memory_space<hbm>>)
    %parallel_loop3A_123 = arith.constant 0 : i32
    %parallel_loop3A_124 = arith.constant 4096 : i32
    %parallel_loop3A_125 = arith.constant 16 : i32
    scf.for %parallel_loop3A_140 = %parallel_loop3A_123 to %parallel_loop3A_124 step %parallel_loop3A_125  : i32 {
      %parallel_loop3A_141 = arith.constant 4096 : i32
      %parallel_loop3A_142 = arith.addi %parallel_loop3A_141, %parallel_loop3A_140 : i32
      %parallel_loop3A_143 = arith.index_cast %parallel_loop3A_142 : i32 to index
      %parallel_loop3A_144 = tpu.vector_load %arg5[%parallel_loop3A_143] {strides = array<i32>} : memref<8192xi32, #tpu.memory_space<vmem>>, vector<16xi32>,
      %parallel_loop3A_145 = arith.constant 128 : i32
      %parallel_loop3A_146 = arith.divsi %parallel_loop3A_140, %parallel_loop3A_145 : i32
      %parallel_loop3A_147 = arith.constant 0 : i32
      %parallel_loop3A_148 = arith.cmpi sgt, %parallel_loop3A_140, %parallel_loop3A_147 : i32
      %parallel_loop3A_149 = arith.extui %parallel_loop3A_148 : i1 to i32
      %parallel_loop3A_150 = arith.constant 0 : i32
      %parallel_loop3A_151 = arith.cmpi slt, %parallel_loop3A_140, %parallel_loop3A_150 : i32
      %parallel_loop3A_152 = arith.extui %parallel_loop3A_151 : i1 to i32
      %parallel_loop3A_153 = arith.subi %parallel_loop3A_149, %parallel_loop3A_152 : i32
      %parallel_loop3A_154 = arith.constant 0 : i32
      %parallel_loop3A_155 = arith.cmpi sgt, %parallel_loop3A_145, %parallel_loop3A_154 : i32
      %parallel_loop3A_156 = arith.extui %parallel_loop3A_155 : i1 to i32
      %parallel_loop3A_157 = arith.constant 0 : i32
      %parallel_loop3A_158 = arith.cmpi slt, %parallel_loop3A_145, %parallel_loop3A_157 : i32
      %parallel_loop3A_159 = arith.extui %parallel_loop3A_158 : i1 to i32
      %parallel_loop3A_160 = arith.subi %parallel_loop3A_156, %parallel_loop3A_159 : i32
      %parallel_loop3A_161 = arith.cmpi ne, %parallel_loop3A_153, %parallel_loop3A_160 : i32
      %parallel_loop3A_162 = arith.remsi %parallel_loop3A_140, %parallel_loop3A_145 : i32
      %parallel_loop3A_163 = arith.constant 0 : i32
      %parallel_loop3A_164 = arith.cmpi ne, %parallel_loop3A_162, %parallel_loop3A_163 : i32
      %parallel_loop3A_165 = arith.andi %parallel_loop3A_161, %parallel_loop3A_164 : i1
      %parallel_loop3A_166 = arith.constant 1 : i32
      %parallel_loop3A_167 = arith.subi %parallel_loop3A_146, %parallel_loop3A_166 : i32
      %parallel_loop3A_168 = arith.select %parallel_loop3A_165, %parallel_loop3A_167, %parallel_loop3A_146 : i32
      %parallel_loop3A_169 = arith.constant 512 : i32
      %parallel_loop3A_170 = arith.muli %parallel_loop3A_168, %parallel_loop3A_169 : i32
      %parallel_loop3A_171 = arith.constant 128 : i32
      %parallel_loop3A_172 = arith.constant 0 : i32
      %parallel_loop3A_173 = arith.cmpi eq, %parallel_loop3A_171, %parallel_loop3A_172 : i32
      %parallel_loop3A_174 = arith.constant 1 : i32
      %parallel_loop3A_175 = arith.select %parallel_loop3A_173, %parallel_loop3A_174, %parallel_loop3A_171 : i32
      %parallel_loop3A_176 = arith.remsi %parallel_loop3A_140, %parallel_loop3A_175 : i32
      %parallel_loop3A_177 = arith.constant 0 : i32
      %parallel_loop3A_178 = arith.cmpi ne, %parallel_loop3A_176, %parallel_loop3A_177 : i32
      %parallel_loop3A_179 = arith.constant 0 : i32
      %parallel_loop3A_180 = arith.cmpi slt, %parallel_loop3A_176, %parallel_loop3A_179 : i32
      %parallel_loop3A_181 = arith.constant 0 : i32
      %parallel_loop3A_182 = arith.cmpi slt, %parallel_loop3A_175, %parallel_loop3A_181 : i32
      %parallel_loop3A_183 = arith.xori %parallel_loop3A_180, %parallel_loop3A_182 : i1
      %parallel_loop3A_184 = arith.andi %parallel_loop3A_183, %parallel_loop3A_178 : i1
      %parallel_loop3A_185 = arith.addi %parallel_loop3A_176, %parallel_loop3A_175 : i32
      %parallel_loop3A_186 = arith.select %parallel_loop3A_184, %parallel_loop3A_185, %parallel_loop3A_176 : i32
      %parallel_loop3A_187 = arith.addi %parallel_loop3A_170, %parallel_loop3A_186 : i32
      %parallel_loop3A_188 = tpu.vector_load_idx %arg7[%parallel_loop3A_144] : memref<32768xf32, #tpu.memory_space<vmem>>[vector<16xi32>], vector<16xf32>,
      %parallel_loop3A_189 = arith.constant 0 : i32
      %parallel_loop3A_190 = arith.addi %parallel_loop3A_187, %parallel_loop3A_189 : i32
      %parallel_loop3A_191 = arith.index_cast %parallel_loop3A_190 : i32 to index
      %parallel_loop3A_192 = tpu.vector_load %arg9[%parallel_loop3A_191] {strides = array<i32>} : memref<16384xf32, #tpu.memory_space<vmem>>, vector<16xf32>,
      tpu.vector_store %arg9[%parallel_loop3A_191], %parallel_loop3A_188 {strides = array<i32>} : memref<16384xf32, #tpu.memory_space<vmem>>, vector<16xf32>,
      %parallel_loop3A_193 = arith.constant 128 : i32
      %parallel_loop3A_194 = vector.broadcast %parallel_loop3A_193 : i32 to vector<16xi32>
      %parallel_loop3A_195 = arith.addi %parallel_loop3A_144, %parallel_loop3A_194 : vector<16xi32>
      %parallel_loop3A_196 = tpu.vector_load_idx %arg7[%parallel_loop3A_195] : memref<32768xf32, #tpu.memory_space<vmem>>[vector<16xi32>], vector<16xf32>,
      %parallel_loop3A_197 = arith.constant 128 : i32
      %parallel_loop3A_198 = arith.addi %parallel_loop3A_187, %parallel_loop3A_197 : i32
      %parallel_loop3A_199 = arith.index_cast %parallel_loop3A_198 : i32 to index
      %parallel_loop3A_200 = tpu.vector_load %arg9[%parallel_loop3A_199] {strides = array<i32>} : memref<16384xf32, #tpu.memory_space<vmem>>, vector<16xf32>,
      tpu.vector_store %arg9[%parallel_loop3A_199], %parallel_loop3A_196 {strides = array<i32>} : memref<16384xf32, #tpu.memory_space<vmem>>, vector<16xf32>,
      %parallel_loop3A_201 = arith.constant 256 : i32
      %parallel_loop3A_202 = vector.broadcast %parallel_loop3A_201 : i32 to vector<16xi32>
      %parallel_loop3A_203 = arith.addi %parallel_loop3A_144, %parallel_loop3A_202 : vector<16xi32>
      %parallel_loop3A_204 = tpu.vector_load_idx %arg7[%parallel_loop3A_203] : memref<32768xf32, #tpu.memory_space<vmem>>[vector<16xi32>], vector<16xf32>,
      %parallel_loop3A_205 = arith.constant 256 : i32
      %parallel_loop3A_206 = arith.addi %parallel_loop3A_187, %parallel_loop3A_205 : i32
      %parallel_loop3A_207 = arith.index_cast %parallel_loop3A_206 : i32 to index
      %parallel_loop3A_208 = tpu.vector_load %arg9[%parallel_loop3A_207] {strides = array<i32>} : memref<16384xf32, #tpu.memory_space<vmem>>, vector<16xf32>,
      tpu.vector_store %arg9[%parallel_loop3A_207], %parallel_loop3A_204 {strides = array<i32>} : memref<16384xf32, #tpu.memory_space<vmem>>, vector<16xf32>,
      %parallel_loop3A_209 = arith.constant 384 : i32
      %parallel_loop3A_210 = vector.broadcast %parallel_loop3A_209 : i32 to vector<16xi32>
      %parallel_loop3A_211 = arith.addi %parallel_loop3A_144, %parallel_loop3A_210 : vector<16xi32>
      %parallel_loop3A_212 = tpu.vector_load_idx %arg7[%parallel_loop3A_211] : memref<32768xf32, #tpu.memory_space<vmem>>[vector<16xi32>], vector<16xf32>,
      %parallel_loop3A_213 = arith.constant 384 : i32
      %parallel_loop3A_214 = arith.addi %parallel_loop3A_187, %parallel_loop3A_213 : i32
      %parallel_loop3A_215 = arith.index_cast %parallel_loop3A_214 : i32 to index
      %parallel_loop3A_216 = tpu.vector_load %arg9[%parallel_loop3A_215] {strides = array<i32>} : memref<16384xf32, #tpu.memory_space<vmem>>, vector<16xf32>,
      tpu.vector_store %arg9[%parallel_loop3A_215], %parallel_loop3A_212 {strides = array<i32>} : memref<16384xf32, #tpu.memory_space<vmem>>, vector<16xf32>,
    } {sc.loop_unroll_factor = 8 : i64, sc.parallel_access}
    %add3A_126 = arith.constant 3 : i32
    %add3A_127 = arith.addi %mul3A_2, %add3A_126 : i32
    %mul3A_128 = arith.constant 32768 : i32
    %mul3A_129 = arith.muli %add3A_127, %mul3A_128 : i32
    %add3A_130 = arith.constant 16384 : i32
    %add3A_131 = arith.addi %mul3A_129, %add3A_130 : i32
    %dma_start3A_132 = tpu.memref_slice %arg4[%add3A_131] : memref<4194304xf32, #tpu.memory_space<hbm>> -> memref<16384xf32, #tpu.memory_space<hbm>>
    %dma_start3A_133 = tpu.memref_slice %arg4[%add3A_131] : memref<4194304xf32, #tpu.memory_space<hbm>> -> memref<16384xf32, #tpu.memory_space<hbm>>
    tpu.enqueue_dma source(%arg9 : memref<16384xf32, #tpu.memory_space<vmem>>) target(%dma_start3A_133 : memref<16384xf32, #tpu.memory_space<hbm>>) target_semaphore(%arg15 : memref<!tpu.dma_semaphore, #tpu.memory_space<semaphore_mem>>)
    %dma_wait3A_134 = tpu.memref_slice %arg4[%add3A_118] : memref<4194304xf32, #tpu.memory_space<hbm>> -> memref<16384xf32, #tpu.memory_space<hbm>>
    %dma_wait3A_135 = tpu.memref_slice %arg4[%add3A_118] : memref<4194304xf32, #tpu.memory_space<hbm>> -> memref<16384xf32, #tpu.memory_space<hbm>>
    tpu.wait_dma2 semaphore(%arg14 : memref<!tpu.dma_semaphore, #tpu.memory_space<semaphore_mem>>) src(%arg8 : memref<16384xf32, #tpu.memory_space<vmem>>) dst(%dma_wait3A_135 : memref<16384xf32, #tpu.memory_space<hbm>>)
    %dma_wait3A_136 = tpu.memref_slice %arg4[%add3A_131] : memref<4194304xf32, #tpu.memory_space<hbm>> -> memref<16384xf32, #tpu.memory_space<hbm>>
    %dma_wait3A_137 = tpu.memref_slice %arg4[%add3A_131] : memref<4194304xf32, #tpu.memory_space<hbm>> -> memref<16384xf32, #tpu.memory_space<hbm>>
    tpu.wait_dma2 semaphore(%arg15 : memref<!tpu.dma_semaphore, #tpu.memory_space<semaphore_mem>>) src(%arg9 : memref<16384xf32, #tpu.memory_space<vmem>>) dst(%dma_wait3A_137 : memref<16384xf32, #tpu.memory_space<hbm>>)
    %dma_wait3A_138 = tpu.memref_slice %arg4[%add3A_103] : memref<4194304xf32, #tpu.memory_space<hbm>> -> memref<16384xf32, #tpu.memory_space<hbm>>
    %dma_wait3A_139 = tpu.memref_slice %arg4[%add3A_103] : memref<4194304xf32, #tpu.memory_space<hbm>> -> memref<16384xf32, #tpu.memory_space<hbm>>
    tpu.wait_dma2 semaphore(%arg16 : memref<!tpu.dma_semaphore, #tpu.memory_space<semaphore_mem>>) src(%arg10 : memref<16384xf32, #tpu.memory_space<vmem>>) dst(%dma_wait3A_139 : memref<16384xf32, #tpu.memory_space<hbm>>)
    return
  }
}

</mosaic_0001>

<sc_bundles>
// kernel: kernel.3.cloned.1.call-start
scs
__scs_entry_jumppad:
0x0: {  	(pc) =	sbr.rel $0x88, $3  }
0x1: {  	(tag) =	ssettag $0x0;
	lr =	simm.s32 $0x1  }
0x2: {  	[smem:$0x3F9F] =	sst lr;
	_ =	strace $0xD0000000  }
0x3: {  	_ = 	snop  }
0x4: {  	_ = 	snop  }
0x5: {  	_ = 	snop  }
0x6: {  	_ = 	snop  }
0x7: {  	_ = 	snop  }
__scs_overlays_trampoline_lowered:
0x8: {  	[smem:$0x3FAE] =	sst s0  }
0x9: {  	[smem:$0x3FAF] =	sst s1  }
0xa: {  	[smem:$0x3FB0] =	sst s2  }
0xb: {  	[smem:$0x3FB1] =	sst s3  }
0xc: {  	[smem:$0x3FB2] =	sst s4  }
0xd: {  	[smem:$0x3FB3] =	sst s5  }
0xe: {  	[smem:$0x3FB4] =	sst s6  }
0xf: {  	[smem:$0x3FB5] =	sst s7  }
0x10: {  	[smem:$0x3FB6] =	sst s8  }
0x11: {  	[smem:$0x3FB7] =	sst s9;
	s0 =	simm.s32 @!p0 $0x0  }
0x12: {  	s1 =	sld [smem:$0x3F9D];
	s0 =	simm.s32 @p0 $0x1  }
0x13: {  	[smem:$0x3FB8] =	sst s0;
	s0 =	simm.s32 @!p1 $0x0  }
0x14: {  	s2 =	sld [smem:$0x3F9C];
	s0 =	simm.s32 @p1 $0x1  }
0x15: {  	[smem:$0x3FB9] =	sst s0;
	s0 =	simm.s32 @!p2 $0x0  }
0x16: {  	s3 =	sld [smem:$0x3FDB];
	s0 =	simm.s32 @p2 $0x1  }
0x17: {  	s4 =	simm.s32 $0x1BF5;
	[smem:$0x3FBB] =	sst s0  }
0x18: {  	s0 =	sld [smem:$0x3F9E];
	_ =	swait.ge [sflag:s4], $0x0  }
0x19: {  	s7 =	sld [smem:$0x3F9F]  }
0x1a: {  	s8 =	sadd.s32 $0xFFFFE003, lr  }
0x1b: {  	s9 =	sadd.s32 $0xFFFFFEF7, lr;
	s5 =	simm.s32 $0xFFFFFFFF;
	p2 =	slt.u32 s8, $0xFFFFF086  }
0x1c: {  	p1 =	slt.u32 s9, $0xF7A;
	s5 =	simm.s32 @!p2 $0x0  }
0x1d: {  	s5 =	simm.s32 @p1 $0x1;
	p0 =	seq.s32 s7, s2  }
0x1e: {  	s7 =	smul.u32 @!p0 $0xF7A, s2;
	p2 =	seq.s32 @!p0 s5, $0x0  }
0x1f: {  	s9 =	smul.u32 $0xF7A, s1;
	s8 =	simm.s32 @!p0 $0x1BF5;
	p2 =	por !p2, p0  }
0x20: {  	[sflag:s8] =	ssyncset.s32 @!p0 $0xFFFFF086;
	s6 =	sadd.s32 @!p0 s3, s7;
	s7 =	simm.s32 @!p0 $0x108  }
0x21: {  	s3 =	sadd.s32 s3, s9;
	s6 =	sadd.s32 @!p0 $0x88, s6;
	s7 =	simm.s32 @p2 $0x1082  }
0x22: {  	[simem:s7], [sflag:s8] =	dma.local @!p0 [hbm:s6], $0xF7A  }
0x23: {  	s9 =	sor.u32 $0xD0000000, s2;
	s6 =	simm.s32 $0x108;
	_ =	swait.ge @!p0 [sflag:s8], $0x0  }
0x24: {  	s3 =	sadd.s32 $0x88, s3;
	s6 =	simm.s32 @!p1 $0x1082;
	[sflag:s4] =	ssyncset.s32 $0xFFFFF086  }
0x25: {  	[simem:s6], [sflag:s4] =	dma.local [hbm:s3], $0xF7A  }
0x26: {  	[smem:$0x3F9F] =	sst s1;
	(tag) =	ssettag s2;
	_ =	strace s9  }
0x27: {  	s1 =	sld [smem:$0x3FAF]  }
0x28: {  	s2 =	sld [smem:$0x3FB0]  }
0x29: {  	s4 =	sld [smem:$0x3FB2]  }
0x2a: {  	p0 =	seq.s32 s5, $0x0;
	s5 =	sld [smem:$0x3FB3]  }
0x2b: {  	s6 =	sld [smem:$0x3FB4]  }
0x2c: {  	s7 =	sld [smem:$0x3FB5]  }
0x2d: {  	s3 =	simm.s32 $0x108;
	s8 =	sld [smem:$0x3FB6]  }
0x2e: {  	s3 =	simm.s32 @!p0 $0x1082;
	s9 =	sld [smem:$0x3FB7]  }
0x2f: {  	lr =	sadd.s32 s0, s3;
	s0 =	sld [smem:$0x3FAE]  }
0x30: {  	s3 =	sld [smem:$0x3FB1]  }
0x31: {  	[smem:$0x3FBA] =	sst s10  }
0x32: {  	s10 =	sld [smem:$0x3FB8];
	_ =	sdelay $0x3  }
0x33: {  	p0 =	seq.s32 s10, $0x1;
	s10 =	sld [smem:$0x3FBA];
	_ =	sdelay $0x3  }
0x34: {  	[smem:$0x3FBA] =	sst s10  }
0x35: {  	s10 =	sld [smem:$0x3FB9];
	_ =	sdelay $0x3  }
0x36: {  	p1 =	seq.s32 s10, $0x1;
	s10 =	sld [smem:$0x3FBA];
	_ =	sdelay $0x3  }
0x37: {  	[smem:$0x3FBA] =	sst s10  }
0x38: {  	s10 =	sld [smem:$0x3FBB]  }
0x39: {  	_ = 	snop;
	(pc) =	sbr.ind lr, $3  }
0x3a: {  	_ = 	snop  }
0x3b: {  	_ = 	snop  }
0x3c: {  	p2 =	seq.s32 s10, $0x1;
	s10 =	sld [smem:$0x3FBA]  }
0x3d: {  	_ =	shalt  }
0x3e: {  	_ =	shalt  }
0x3f: {  	_ =	shalt  }
0x40: {  	_ =	shalt  }
0x41: {  	_ =	shalt  }
0x42: {  	_ =	shalt  }
0x43: {  	_ =	shalt  }
0x44: {  	_ =	shalt  }
0x45: {  	_ =	shalt  }
0x46: {  	_ =	shalt  }
0x47: {  	_ =	shalt  }
0x48: {  	_ =	shalt  }
0x49: {  	_ =	shalt  }
0x4a: {  	_ =	shalt  }
0x4b: {  	_ =	shalt  }
0x4c: {  	_ =	shalt  }
0x4d: {  	_ =	shalt  }
0x4e: {  	_ =	shalt  }
0x4f: {  	_ =	shalt  }
0x50: {  	_ =	shalt  }
0x51: {  	_ =	shalt  }
0x52: {  	_ =	shalt  }
0x53: {  	_ =	shalt  }
0x54: {  	_ =	shalt  }
0x55: {  	_ =	shalt  }
0x56: {  	_ =	shalt  }
0x57: {  	_ =	shalt  }
0x58: {  	_ =	shalt  }
0x59: {  	_ =	shalt  }
0x5a: {  	_ =	shalt  }
0x5b: {  	_ =	shalt  }
0x5c: {  	_ =	shalt  }
0x5d: {  	_ =	shalt  }
0x5e: {  	_ =	shalt  }
0x5f: {  	_ =	shalt  }
0x60: {  	_ =	shalt  }
0x61: {  	_ =	shalt  }
0x62: {  	_ =	shalt  }
0x63: {  	_ =	shalt  }
0x64: {  	_ =	shalt  }
0x65: {  	_ =	shalt  }
0x66: {  	_ =	shalt  }
0x67: {  	_ =	shalt  }
0x68: {  	_ =	shalt  }
0x69: {  	_ =	shalt  }
0x6a: {  	_ =	shalt  }
0x6b: {  	_ =	shalt  }
0x6c: {  	_ =	shalt  }
0x6d: {  	_ =	shalt  }
0x6e: {  	_ =	shalt  }
0x6f: {  	_ =	shalt  }
0x70: {  	_ =	shalt  }
0x71: {  	_ =	shalt  }
0x72: {  	_ =	shalt  }
0x73: {  	_ =	shalt  }
0x74: {  	_ =	shalt  }
0x75: {  	_ =	shalt  }
0x76: {  	_ =	shalt  }
0x77: {  	_ =	shalt  }
0x78: {  	_ =	shalt  }
0x79: {  	_ =	shalt  }
0x7a: {  	_ =	shalt  }
0x7b: {  	_ =	shalt  }
0x7c: {  	_ =	shalt  }
0x7d: {  	_ =	shalt  }
0x7e: {  	_ =	shalt  }
0x7f: {  	_ =	shalt  }
0x80: {  	_ =	shalt  }
0x81: {  	_ =	shalt  }
0x82: {  	_ =	shalt  }
0x83: {  	_ =	shalt  }
0x84: {  	_ =	shalt  }
0x85: {  	_ =	shalt  }
0x86: {  	_ =	shalt  }
0x87: {  	_ =	shalt  }
.Lfunc_end0:
.L_simem_size_0:
called_computation_lowered:
.L_overlay_start_0:
0x88: {  	s2 =	sld [smem:$0x3FD9]  }
0x89: {  	s3 =	sld [smem:$0x3FFE];
	_ =	sdelay $0x1  }
0x8a: {  	s1 =	srdreg.scid  }
0x8b: {  	s0 =	sand.u32 $0x1, s1  }
0x8c: {  	s17 =	sshll.u32 s0, $0xA;
	s2 =	sadd.s32 s3, s2  }
0x8d: {  	s2 =	sadd.s32 s2, s17  }
0x8e: {  	[smem:$0x3FC6] =	sst s2  }
0x8f: {  	_ = 	snop  }
0x90: {  	s2 =	sld [smem:$0x3FC9]  }
0x91: {  	s18 =	sld [smem:$0x3FD0];
	(tm) =	ssettm $0x1  }
0x92: {  	s4 =	sld [smem:$0x3FFB];
	_ =	sdelay $0x3  }
0x93: {  	_ =	strace s4  }
0x94: {  	s4 =	sld [smem:$0x3FFC];
	_ =	sdelay $0x3  }
0x95: {  	_ =	strace s4  }
0x96: {  	s4 =	sld [smem:$0x3FFD];
	_ =	sdelay $0x3  }
0x97: {  	_ =	strace s4  }
0x98: {  	_ =	strace $0x8FFFFFFF  }
0x99: {  	s19 =	sld [smem:$0x3FDB];
	_ =	sdelay $0x1  }
0x9a: {  	s5 =	simm.s32 $_scs_section_size  }
0x9b: {  	s6 =	simm.s32 $_size__tile_overlayer_lowered;
	s7 =	simm.s32 $_tile_overlayer_lowered  }
0x9c: {  	s22 =	simm.s32 $0x1BFF;
	s21 =	sshll.u32 s7, $0x1;
	s4 =	sadd.s32 s5, s19  }
0x9d: {  	s8 =	simm.s32 $0x0;
	s20 =	sshll.u32 s6, $0x1;
	s6 =	sadd.s32 s21, s4  }
0x9e: {  	[timem:s8], [sflag:s22] =	dma.local [hbm:s6], s20  }
0x9f: {  	_ =	swait.ge [sflag:s22], s20  }
0xa0: {  	s5 =	ssub.s32 $0x0, s20;
	[sflag:s22] =	ssyncset.done $0x0  }
0xa1: {  	[sflag:s22] =	ssyncadd.s32 s5;
	_ =	sdelay $0x1  }
0xa2: {  	s23 =	simm.s32 $0x1B8B  }
0xa3: {  	_ =	swait.ge [sflag:s23], $0x1  }
0xa4: {  	[sflag:s23] =	ssyncset.done $0x0  }
0xa5: {  	s25 =	simm.s32 $0x1B8E;
	s24 =	sld [smem:$0x3FFE];
	[sflag:s23] =	ssyncadd.s32 $0xFFFFFFFF  }
0xa6: {  	s26 =	simm.s32 $execute0_lowered;
	[smem:$0x3FD2] =	sst s25  }
0xa7: {  	s6 =	sshll.u32 s26, $0x1;
	_ =	strace $0x80000046;
	[dreg:$0x1] =	wrdreg $0xFFFFFFFF  }
0xa8: {  	s28 =	simm.s32 $_size_execute0_lowered;
	s4 =	sadd.s32 s4, s6;
	[dreg:$0x0] =	wrdreg $0x0  }
0xa9: {  	s6 =	sshll.u32 s28, $0x1;
	[dreg:$0x2] =	wrdreg s4  }
0xaa: {  	[dreg:$0x3] =	wrdreg s6  }
0xab: {  	[dreg:$0x4] =	wrdreg $0xC0  }
0xac: {  	_ =	task [dreg:s8], $0x5FFFF  }
0xad: {  	[dreg:$0x1] =	wrdreg $0xFFFFFFFF  }
0xae: {  	[dreg:$0x0] =	wrdreg $0x60  }
0xaf: {  	[dreg:$0x2] =	wrdreg s2  }
0xb0: {  	[dreg:$0x3] =	wrdreg s24  }
0xb1: {  	[dreg:$0x4] =	wrdreg s18  }
0xb2: {  	[dreg:$0x5] =	wrdreg $0x9  }
0xb3: {  	_ =	task.clear_ibuf [dreg:s8], $0x6FFFF;
	_ =	strace $0x90000046  }
0xb4: {  	s29 =	simm.s32 $0x9;
	_ =	strace $0x80000048  }
0xb5: {  	_ =	swait.ge [sflag:s29], $0x1  }
0xb6: {  	[sflag:s29] =	ssyncadd.s32 $0xFFFFFFFF  }
0xb7: {  	_ =	strace $0x90000048  }
0xb8: {  	_ =	sfence  }
0xb9: {  	s30 =	sld [smem:$0x0];
	_ =	sdelay $0x2  }
0xba: {  	s31 =	sshll.u32 s1, $0xD;
	s1 =	sshrl.u32 s1, $0x2  }
0xbb: {  	s3 =	sand.u32 $0x4000, s31;
	s1 =	sadd.s32 s1, s30  }
0xbc: {  	s0 =	sor.u32 s3, s0;
	s1 =	sshll.u32 s1, $0x11  }
0xbd: {  	s0 =	sor.u32 s1, s0  }
0xbe: {  	s0 =	sadd.s32 $0x8F2B, s0  }
0xbf: {  	[sflag:s0] =	ssyncadd.remote.s32 $0x1  }
0xc0: {  	_ =	sfence.sel $0xFFFF  }
0xc1: {  	[dreg:$0x0] =	wrdreg $0xFFFFFFFF;
	(pc) =	sbr.abs _section_cstart, $3  }
0xc2: {  	[dreg:$0x1] =	wrdreg $0xFFFFFFFF  }
0xc3: {  	_ =	task.clear_ibuf [dreg:s8], $0x2FFFF;
	_ =	strace $0x9FFFFFFF  }
0xc4: {  	(tm) =	ssettm $0x7FFFFFFF  }
0xc5: {  	_ =	shalt  }
tec
execute0_lowered:
.L_overlay_start_1:
0x0: {  	(tag) =	ssettag $0x1  }
0x1: {  	s0 =	rddreg [dreg:$0x0]  }
0x2: {  	s3 =	rddreg [dreg:$0x1]  }
0x3: {  	s14 =	rddreg [dreg:$0x2];
	s2 =	simm.s32 $0x0;
	s4 =	srdreg.scid  }
0x4: {  	s1 =	stileid.u32;
	s17 =	simm.s32 $0x2000;
	s18 =	simm.s32 $0x1  }
0x5: {  	s19 =	simm.s32 $0x2;
	s20 =	simm.s32 $0xA000;
	s21 =	simm.s32 $0x12000  }
0x6: {  	s22 =	simm.s32 $0x16000;
	s23 =	simm.s32 $0x3;
	s24 =	simm.s32 $0x1A000  }
0x7: {  	s25 =	simm.s32 $0x4;
	s26 =	simm.s32 $0x5;
	s28 =	simm.s32 $0x6  }
0x8: {  	s29 =	simm.s32 $0x0;
	[smem:$0x7FF] =	sst s2;
	s4 =	sand.u32 $0x1, s4  }
0x9: {  	s6 =	sshll.u32 s1, $0xF;
	s5 =	ssub.s32 $0x2, s4;
	s4 =	sshll.u32 s4, $0xE  }
0xa: {  	s3 =	sadd.s32 $0x400, s3;
	s7 =	sshrl.u32 s5, $0x1;
	s11 =	sor.u32 s4, s6  }
0xb: {  	_ =	strace $0x80000047;
	s16 =	ssub.s32 s5, s7;
	s4 =	sadd.s32 s0, s11  }
0xc: {  	s9 =	sor.u32 $0x1000, s11;
	s5 =	sadd.s32 s14, s11;
	s12 =	sor.u32 $0x2000, s11  }
0xd: {  	s15 =	sor.u32 $0x3000, s11;
	s6 =	sadd.s32 s0, s9;
	s7 =	sadd.s32 $0x800, s5  }
0xe: {  	s8 =	sadd.s32 s0, s12;
	s9 =	sadd.s32 s14, s9;
	s10 =	sadd.s32 $0x1800, s5  }
0xf: {  	s11 =	sadd.s32 s0, s15;
	s12 =	sadd.s32 s14, s12;
	s13 =	sadd.s32 $0x2800, s5  }
0x10: {  	s14 =	sadd.s32 s14, s15;
	s15 =	sadd.s32 $0x3800, s5;
	s16 =	smax.u32 s16, $0x1  }
.LBB2_1:
0x11: {  	[tilespmem:s2], [sflag:$0x1] =	stream.linear.gather [hbm4b:s3+s2], $0x2000, $0x38;
	[tilespmem:$0x1E000] =	vst v63  }
0x12: {  	_ = 	snop  }
0x13: {  	[tilespmem:s17], [sflag:$0x2] =	stream.linear.gather [hbm4b:s4+s2], $0x8000, $0x38;
	[tilespmem:$0x1E000] =	vst v63  }
0x14: {  	_ =	swait.ge [sflag:s18], $0x2000  }
0x15: {  	[sflag:s18] =	ssyncset.done $0x0  }
0x16: {  	[sflag:s18] =	ssyncadd.s32 $0xFFFFE000  }
0x17: {  	_ =	swait.ge [sflag:s19], $0x8000  }
0x18: {  	[sflag:s19] =	ssyncset.done $0x0  }
0x19: {  	s0 =	simm.s32 $0x40;
	[sflag:s19] =	ssyncadd.s32 $0xFFFF8000  }
0x1a: {  	[tilespmem:s20], [sflag:$0x3] =	stream.linear.gather [hbm4b:s6+s2], $0x8000, $0x38;
	[tilespmem:$0x1E000] =	vst v63  }
0x1b: {  	v0 =	vld [tilespmem:s0+$0x30]  }
0x1c: {  	v1 =	vld [tilespmem:s0+$0xFFFFFFD0]  }
0x1d: {  	v2 =	vld [tilespmem:s0+$0xFFFFFFE0]  }
0x1e: {  	v3 =	vld [tilespmem:s0+$0xFFFFFFF0]  }
0x1f: {  	v4 =	vld [tilespmem:s0+$0x0]  }
0x20: {  	v5 =	vld [tilespmem:s0+$0x10]  }
0x21: {  	v6 =	vld [tilespmem:s0+$0x20]  }
0x22: {  	v7 =	vld [tilespmem:s0+$0xFFFFFFC0]  }
0x23: {  	v8 =	vld.idx.msk [tilespmem:v0+s17+$0x0], $0xffff  }
0x24: {  	v9 =	vld.idx.msk [tilespmem:v1+s17+$0x0], $0xffff  }
0x25: {  	v10 =	vld.idx.msk [tilespmem:v2+s17+$0x0], $0xffff  }
0x26: {  	v11 =	vadd.s32 $0x80, v0;
	v12 =	vld.idx.msk [tilespmem:v3+s17+$0x0], $0xffff  }
0x27: {  	v13 =	vadd.s32 $0x80, v1;
	v14 =	vld.idx.msk [tilespmem:v4+s17+$0x0], $0xffff  }
0x28: {  	s30 =	simm.s32 $0x12100;
	v15 =	vadd.s32 $0x80, v2;
	v16 =	vld.idx.msk [tilespmem:v5+s17+$0x0], $0xffff  }
0x29: {  	v17 =	vadd.s32 $0x80, v3;
	v18 =	vld.idx.msk [tilespmem:v6+s17+$0x0], $0xffff;
	[tilespmem:s30+$0xFFFFFF70] =	vst v8  }
0x2a: {  	v44 =	vadd.s32 $0x80, v4;
	v19 =	vld.idx.msk [tilespmem:v7+s17+$0x0], $0xffff;
	[tilespmem:s30+$0xFFFFFF10] =	vst v9  }
0x2b: {  	v46 =	vadd.s32 $0x80, v5;
	[tilespmem:s30+$0xFFFFFF20] =	vst v10;
	v45 =	vld.idx.msk [tilespmem:v11+s17+$0x0], $0xffff  }
0x2c: {  	v49 =	vadd.s32 $0x80, v7;
	[tilespmem:s30+$0xFFFFFF30] =	vst v12;
	v47 =	vld.idx.msk [tilespmem:v13+s17+$0x0], $0xffff  }
0x2d: {  	v50 =	vadd.s32 $0x80, v6;
	[tilespmem:s30+$0xFFFFFF40] =	vst v14;
	v15 =	vld.idx.msk [tilespmem:v15+s17+$0x0], $0xffff  }
0x2e: {  	v48 =	vadd.s32 $0x100, v0;
	[tilespmem:s30+$0xFFFFFF50] =	vst v16;
	v17 =	vld.idx.msk [tilespmem:v17+s17+$0x0], $0xffff  }
0x2f: {  	v51 =	vadd.s32 $0x100, v1;
	[tilespmem:s30+$0xFFFFFF60] =	vst v18;
	v8 =	vld.idx.msk [tilespmem:v44+s17+$0x0], $0xffff  }
0x30: {  	v52 =	vadd.s32 $0x100, v2;
	[tilespmem:s30+$0xFFFFFF00] =	vst v19;
	v11 =	vld.idx.msk [tilespmem:v46+s17+$0x0], $0xffff  }
0x31: {  	v53 =	vadd.s32 $0x100, v3;
	v13 =	vld.idx.msk [tilespmem:v49+s17+$0x0], $0xffff;
	[tilespmem:s30+$0xFFFFFFF0] =	vst v45  }
0x32: {  	v54 =	vadd.s32 $0x100, v4;
	v55 =	vld.idx.msk [tilespmem:v50+s17+$0x0], $0xffff;
	[tilespmem:s30+$0xFFFFFF90] =	vst v47  }
0x33: {  	v56 =	vadd.s32 $0x100, v7;
	[tilespmem:s30+$0xFFFFFFA0] =	vst v15;
	v12 =	vld.idx.msk [tilespmem:v48+s17+$0x0], $0xffff  }
0x34: {  	v58 =	vadd.s32 $0x100, v5;
	[tilespmem:s30+$0xFFFFFFB0] =	vst v17;
	v57 =	vld.idx.msk [tilespmem:v51+s17+$0x0], $0xffff  }
0x35: {  	v60 =	vadd.s32 $0x100, v6;
	[tilespmem:s30+$0xFFFFFFC0] =	vst v8;
	v59 =	vld.idx.msk [tilespmem:v52+s17+$0x0], $0xffff  }
0x36: {  	v0 =	vadd.s32 $0x180, v0;
	[tilespmem:s30+$0xFFFFFFD0] =	vst v11;
	v9 =	vld.idx.msk [tilespmem:v53+s17+$0x0], $0xffff  }
0x37: {  	v1 =	vadd.s32 $0x180, v1;
	[tilespmem:s30+$0xFFFFFF80] =	vst v13;
	v61 =	vld.idx.msk [tilespmem:v54+s17+$0x0], $0xffff  }
0x38: {  	v2 =	vadd.s32 $0x180, v2;
	[tilespmem:s30+$0xFFFFFFE0] =	vst v55;
	v13 =	vld.idx.msk [tilespmem:v56+s17+$0x0], $0xffff  }
0x39: {  	v3 =	vadd.s32 $0x180, v3;
	v62 =	vld.idx.msk [tilespmem:v58+s17+$0x0], $0xffff;
	[tilespmem:s30+$0x70] =	vst v12  }
0x3a: {  	v4 =	vadd.s32 $0x180, v4;
	v8 =	vld.idx.msk [tilespmem:v60+s17+$0x0], $0xffff;
	[tilespmem:s30+$0x10] =	vst v57  }
0x3b: {  	v7 =	vadd.s32 $0x180, v7;
	[tilespmem:s30+$0x20] =	vst v59;
	v12 =	vld.idx.msk [tilespmem:v0+s17+$0x0], $0xffff  }
0x3c: {  	v5 =	vadd.s32 $0x180, v5;
	[tilespmem:s30+$0x30] =	vst v9;
	v63 =	vld.idx.msk [tilespmem:v1+s17+$0x0], $0xffff  }
0x3d: {  	v6 =	vadd.s32 $0x180, v6;
	[tilespmem:s30+$0x40] =	vst v61;
	v0 =	vld.idx.msk [tilespmem:v2+s17+$0x0], $0xffff  }
0x3e: {  	[tilespmem:s30+$0x0] =	vst v13;
	v1 =	vld.idx.msk [tilespmem:v3+s17+$0x0], $0xffff  }
0x3f: {  	[tilespmem:s30+$0x50] =	vst v62;
	v3 =	vld.idx.msk [tilespmem:v4+s17+$0x0], $0xffff  }
0x40: {  	[tilespmem:s30+$0x60] =	vst v8;
	v2 =	vld.idx.msk [tilespmem:v7+s17+$0x0], $0xffff  }
0x41: {  	v4 =	vld.idx.msk [tilespmem:v5+s17+$0x0], $0xffff;
	[tilespmem:s30+$0xF0] =	vst v12  }
0x42: {  	s31 =	simm.s32 $0x0;
	s0 =	simm.s32 $0xC0;
	v5 =	vld.idx.msk [tilespmem:v6+s17+$0x0], $0xffff;
	[tilespmem:s30+$0x90] =	vst v63  }
.LBB2_2:
0x43: {  	v6 =	vld [tilespmem:s0+$0x30];
	s31 =	sadd.s32 $0x80, s31;
	[tilespmem:s30+$0xA0] =	vst v0  }
0x44: {  	v0 =	vld [tilespmem:s0+$0xFFFFFFD0];
	p0 =	slt.u32 s31, $0xF80;
	[tilespmem:s30+$0xB0] =	vst v1  }
0x45: {  	v1 =	vld [tilespmem:s0+$0xFFFFFFE0];
	[tilespmem:s30+$0xC0] =	vst v3  }
0x46: {  	v3 =	vld [tilespmem:s0+$0xFFFFFFF0];
	[tilespmem:s30+$0x80] =	vst v2  }
0x47: {  	v2 =	vld [tilespmem:s0+$0x0];
	[tilespmem:s30+$0xD0] =	vst v4  }
0x48: {  	v4 =	vld [tilespmem:s0+$0x10];
	[tilespmem:s30+$0xE0] =	vst v5  }
0x49: {  	v5 =	vadd.s32 $0x80, v0;
	v7 =	vadd.s32 $0x100, v0;
	v8 =	vadd.s32 $0x180, v0;
	v9 =	vld [tilespmem:s0+$0x20]  }
0x4a: {  	v10 =	vld [tilespmem:s0+$0xFFFFFFC0];
	v11 =	vadd.s32 $0x80, v1;
	v12 =	vadd.s32 $0x100, v1;
	v13 =	vadd.s32 $0x180, v1  }
0x4b: {  	v14 =	vadd.s32 $0x80, v3;
	v15 =	vadd.s32 $0x100, v3;
	v16 =	vadd.s32 $0x180, v3;
	v17 =	vld.idx.msk [tilespmem:v6+s17+$0x0], $0xffff  }
0x4c: {  	v0 =	vld.idx.msk [tilespmem:v0+s17+$0x0], $0xffff;
	v18 =	vadd.s32 $0x80, v2;
	v19 =	vadd.s32 $0x100, v2;
	v20 =	vadd.s32 $0x180, v2  }
0x4d: {  	v23 =	vadd.s32 $0x80, v6;
	v1 =	vld.idx.msk [tilespmem:v1+s17+$0x0], $0xffff;
	v21 =	vadd.s32 $0x80, v4;
	v22 =	vadd.s32 $0x100, v4  }
0x4e: {  	v24 =	vadd.s32 $0x180, v4;
	v3 =	vld.idx.msk [tilespmem:v3+s17+$0x0], $0xffff;
	v25 =	vadd.s32 $0x80, v9;
	v26 =	vadd.s32 $0x100, v9  }
0x4f: {  	v27 =	vadd.s32 $0x80, v10;
	v28 =	vadd.s32 $0x100, v10;
	v29 =	vadd.s32 $0x180, v10;
	v2 =	vld.idx.msk [tilespmem:v2+s17+$0x0], $0xffff  }
0x50: {  	s30 =	sadd.s32 $0x200, s30;
	v30 =	vadd.s32 $0x180, v9;
	v4 =	vld.idx.msk [tilespmem:v4+s17+$0x0], $0xffff  }
0x51: {  	v9 =	vld.idx.msk [tilespmem:v9+s17+$0x0], $0xffff;
	[tilespmem:s30+$0xFFFFFF70] =	vst v17  }
0x52: {  	[tilespmem:s30+$0xFFFFFF10] =	vst v0;
	v0 =	vld.idx.msk [tilespmem:v23+s17+$0x0], $0xffff  }
0x53: {  	v10 =	vld.idx.msk [tilespmem:v10+s17+$0x0], $0xffff;
	[tilespmem:s30+$0xFFFFFF20] =	vst v1  }
0x54: {  	v1 =	vld.idx.msk [tilespmem:v5+s17+$0x0], $0xffff;
	[tilespmem:s30+$0xFFFFFF30] =	vst v3;
	v3 =	vadd.s32 $0x100, v6  }
0x55: {  	v5 =	vld.idx.msk [tilespmem:v11+s17+$0x0], $0xffff;
	[tilespmem:s30+$0xFFFFFF40] =	vst v2  }
0x56: {  	v2 =	vld.idx.msk [tilespmem:v14+s17+$0x0], $0xffff;
	[tilespmem:s30+$0xFFFFFF50] =	vst v4  }
0x57: {  	v4 =	vld.idx.msk [tilespmem:v18+s17+$0x0], $0xffff;
	[tilespmem:s30+$0xFFFFFF60] =	vst v9  }
0x58: {  	v9 =	vld.idx.msk [tilespmem:v21+s17+$0x0], $0xffff;
	[tilespmem:s30+$0xFFFFFFF0] =	vst v0  }
0x59: {  	[tilespmem:s30+$0xFFFFFF00] =	vst v10;
	v0 =	vld.idx.msk [tilespmem:v3+s17+$0x0], $0xffff  }
0x5a: {  	v3 =	vld.idx.msk [tilespmem:v27+s17+$0x0], $0xffff;
	[tilespmem:s30+$0xFFFFFF90] =	vst v1  }
0x5b: {  	[tilespmem:s30+$0xFFFFFFA0] =	vst v5;
	v1 =	vld.idx.msk [tilespmem:v25+s17+$0x0], $0xffff;
	v5 =	vadd.s32 $0x180, v6  }
0x5c: {  	v6 =	vld.idx.msk [tilespmem:v7+s17+$0x0], $0xffff;
	[tilespmem:s30+$0xFFFFFFB0] =	vst v2  }
0x5d: {  	v2 =	vld.idx.msk [tilespmem:v12+s17+$0x0], $0xffff;
	[tilespmem:s30+$0xFFFFFFC0] =	vst v4  }
0x5e: {  	v4 =	vld.idx.msk [tilespmem:v15+s17+$0x0], $0xffff;
	[tilespmem:s30+$0xFFFFFFD0] =	vst v9  }
0x5f: {  	v7 =	vld.idx.msk [tilespmem:v19+s17+$0x0], $0xffff;
	[tilespmem:s30+$0x70] =	vst v0  }
0x60: {  	[tilespmem:s30+$0xFFFFFF80] =	vst v3;
	v3 =	vld.idx.msk [tilespmem:v5+s17+$0x0], $0xffff  }
0x61: {  	v5 =	vld.idx.msk [tilespmem:v28+s17+$0x0], $0xffff;
	[tilespmem:s30+$0xFFFFFFE0] =	vst v1  }
0x62: {  	[tilespmem:s30+$0x10] =	vst v6;
	v6 =	vld.idx.msk [tilespmem:v22+s17+$0x0], $0xffff  }
0x63: {  	[tilespmem:s30+$0x20] =	vst v2;
	v9 =	vld.idx.msk [tilespmem:v26+s17+$0x0], $0xffff  }
0x64: {  	v8 =	vld.idx.msk [tilespmem:v8+s17+$0x0], $0xffff;
	[tilespmem:s30+$0x30] =	vst v4  }
0x65: {  	v0 =	vld.idx.msk [tilespmem:v13+s17+$0x0], $0xffff;
	[tilespmem:s30+$0x40] =	vst v7  }
.Ltmp0:
0x66: {  	v1 =	vld.idx.msk [tilespmem:v16+s17+$0x0], $0xffff;
	[tilespmem:s30+$0xF0] =	vst v3;
	(pc) =	sbr.rel @p0 .LBB2_2-.Ltmp0, $4  }
0x67: {  	[tilespmem:s30+$0x0] =	vst v5;
	v3 =	vld.idx.msk [tilespmem:v20+s17+$0x0], $0xffff  }
0x68: {  	v2 =	vld.idx.msk [tilespmem:v29+s17+$0x0], $0xffff;
	[tilespmem:s30+$0x50] =	vst v6  }
0x69: {  	v4 =	vld.idx.msk [tilespmem:v24+s17+$0x0], $0xffff;
	[tilespmem:s30+$0x60] =	vst v9  }
0x6a: {  	s0 =	sadd.s32 $0x80, s0;
	[tilespmem:s30+$0x90] =	vst v8;
	v5 =	vld.idx.msk [tilespmem:v30+s17+$0x0], $0xffff  }
0x6b: {  	[tilespmem:s30+$0xA0] =	vst v0  }
0x6c: {  	[tilespmem:s30+$0xB0] =	vst v1  }
0x6d: {  	[tilespmem:s30+$0xC0] =	vst v3  }
0x6e: {  	[tilespmem:s30+$0x80] =	vst v2  }
0x6f: {  	[tilespmem:s30+$0xD0] =	vst v4  }
0x70: {  	s0 =	simm.s32 $0x1070;
	[tilespmem:s30+$0xE0] =	vst v5  }
0x71: {  	[hbm4b:s5+s2] =	stream.linear.scatter [tilespmem:s21], [sflag:$0x4], $0x4000, $0x38;
	[tilespmem:$0x1E000] =	vst v63  }
0x72: {  	v0 =	vld [tilespmem:s0+$0x0]  }
0x73: {  	v1 =	vld [tilespmem:s0+$0xFFFFFFA0]  }
0x74: {  	v2 =	vld [tilespmem:s0+$0xFFFFFFB0]  }
0x75: {  	v3 =	vld [tilespmem:s0+$0xFFFFFFC0]  }
0x76: {  	v4 =	vld [tilespmem:s0+$0xFFFFFFD0]  }
0x77: {  	v5 =	vld [tilespmem:s0+$0xFFFFFFE0]  }
0x78: {  	v6 =	vld [tilespmem:s0+$0xFFFFFFF0]  }
0x79: {  	v7 =	vld [tilespmem:s0+$0xFFFFFF90]  }
0x7a: {  	v8 =	vld.idx.msk [tilespmem:v0+s17+$0x0], $0xffff  }
0x7b: {  	v9 =	vld.idx.msk [tilespmem:v1+s17+$0x0], $0xffff  }
0x7c: {  	v10 =	vld.idx.msk [tilespmem:v2+s17+$0x0], $0xffff  }
0x7d: {  	v11 =	vadd.s32 $0x80, v0;
	v12 =	vld.idx.msk [tilespmem:v3+s17+$0x0], $0xffff  }
0x7e: {  	v13 =	vadd.s32 $0x80, v1;
	v14 =	vld.idx.msk [tilespmem:v4+s17+$0x0], $0xffff  }
0x7f: {  	s30 =	simm.s32 $0x16100;
	v15 =	vadd.s32 $0x80, v2;
	v16 =	vld.idx.msk [tilespmem:v5+s17+$0x0], $0xffff  }
0x80: {  	v17 =	vadd.s32 $0x80, v3;
	v18 =	vld.idx.msk [tilespmem:v6+s17+$0x0], $0xffff;
	[tilespmem:s30+$0xFFFFFF70] =	vst v8  }
0x81: {  	v44 =	vadd.s32 $0x80, v4;
	v19 =	vld.idx.msk [tilespmem:v7+s17+$0x0], $0xffff;
	[tilespmem:s30+$0xFFFFFF10] =	vst v9  }
0x82: {  	v46 =	vadd.s32 $0x80, v5;
	[tilespmem:s30+$0xFFFFFF20] =	vst v10;
	v45 =	vld.idx.msk [tilespmem:v11+s17+$0x0], $0xffff  }
0x83: {  	v49 =	vadd.s32 $0x80, v7;
	[tilespmem:s30+$0xFFFFFF30] =	vst v12;
	v47 =	vld.idx.msk [tilespmem:v13+s17+$0x0], $0xffff  }
0x84: {  	v50 =	vadd.s32 $0x80, v6;
	[tilespmem:s30+$0xFFFFFF40] =	vst v14;
	v15 =	vld.idx.msk [tilespmem:v15+s17+$0x0], $0xffff  }
0x85: {  	v48 =	vadd.s32 $0x100, v0;
	[tilespmem:s30+$0xFFFFFF50] =	vst v16;
	v17 =	vld.idx.msk [tilespmem:v17+s17+$0x0], $0xffff  }
0x86: {  	v51 =	vadd.s32 $0x100, v1;
	[tilespmem:s30+$0xFFFFFF60] =	vst v18;
	v8 =	vld.idx.msk [tilespmem:v44+s17+$0x0], $0xffff  }
0x87: {  	v52 =	vadd.s32 $0x100, v2;
	[tilespmem:s30+$0xFFFFFF00] =	vst v19;
	v11 =	vld.idx.msk [tilespmem:v46+s17+$0x0], $0xffff  }
0x88: {  	v53 =	vadd.s32 $0x100, v3;
	v13 =	vld.idx.msk [tilespmem:v49+s17+$0x0], $0xffff;
	[tilespmem:s30+$0xFFFFFFF0] =	vst v45  }
0x89: {  	v54 =	vadd.s32 $0x100, v4;
	v55 =	vld.idx.msk [tilespmem:v50+s17+$0x0], $0xffff;
	[tilespmem:s30+$0xFFFFFF90] =	vst v47  }
0x8a: {  	v56 =	vadd.s32 $0x100, v7;
	[tilespmem:s30+$0xFFFFFFA0] =	vst v15;
	v12 =	vld.idx.msk [tilespmem:v48+s17+$0x0], $0xffff  }
0x8b: {  	v58 =	vadd.s32 $0x100, v5;
	[tilespmem:s30+$0xFFFFFFB0] =	vst v17;
	v57 =	vld.idx.msk [tilespmem:v51+s17+$0x0], $0xffff  }
0x8c: {  	v60 =	vadd.s32 $0x100, v6;
	[tilespmem:s30+$0xFFFFFFC0] =	vst v8;
	v59 =	vld.idx.msk [tilespmem:v52+s17+$0x0], $0xffff  }
0x8d: {  	v0 =	vadd.s32 $0x180, v0;
	[tilespmem:s30+$0xFFFFFFD0] =	vst v11;
	v9 =	vld.idx.msk [tilespmem:v53+s17+$0x0], $0xffff  }
0x8e: {  	v1 =	vadd.s32 $0x180, v1;
	[tilespmem:s30+$0xFFFFFF80] =	vst v13;
	v61 =	vld.idx.msk [tilespmem:v54+s17+$0x0], $0xffff  }
0x8f: {  	v2 =	vadd.s32 $0x180, v2;
	[tilespmem:s30+$0xFFFFFFE0] =	vst v55;
	v13 =	vld.idx.msk [tilespmem:v56+s17+$0x0], $0xffff  }
0x90: {  	v3 =	vadd.s32 $0x180, v3;
	v62 =	vld.idx.msk [tilespmem:v58+s17+$0x0], $0xffff;
	[tilespmem:s30+$0x70] =	vst v12  }
0x91: {  	v4 =	vadd.s32 $0x180, v4;
	v8 =	vld.idx.msk [tilespmem:v60+s17+$0x0], $0xffff;
	[tilespmem:s30+$0x10] =	vst v57  }
0x92: {  	v7 =	vadd.s32 $0x180, v7;
	[tilespmem:s30+$0x20] =	vst v59;
	v12 =	vld.idx.msk [tilespmem:v0+s17+$0x0], $0xffff  }
0x93: {  	v5 =	vadd.s32 $0x180, v5;
	[tilespmem:s30+$0x30] =	vst v9;
	v63 =	vld.idx.msk [tilespmem:v1+s17+$0x0], $0xffff  }
0x94: {  	v6 =	vadd.s32 $0x180, v6;
	[tilespmem:s30+$0x40] =	vst v61;
	v0 =	vld.idx.msk [tilespmem:v2+s17+$0x0], $0xffff  }
0x95: {  	[tilespmem:s30+$0x0] =	vst v13;
	v1 =	vld.idx.msk [tilespmem:v3+s17+$0x0], $0xffff  }
0x96: {  	[tilespmem:s30+$0x50] =	vst v62;
	v3 =	vld.idx.msk [tilespmem:v4+s17+$0x0], $0xffff  }
0x97: {  	[tilespmem:s30+$0x60] =	vst v8;
	v2 =	vld.idx.msk [tilespmem:v7+s17+$0x0], $0xffff  }
0x98: {  	v4 =	vld.idx.msk [tilespmem:v5+s17+$0x0], $0xffff;
	[tilespmem:s30+$0xF0] =	vst v12  }
0x99: {  	s31 =	simm.s32 $0x0;
	s0 =	simm.s32 $0x10F0;
	v5 =	vld.idx.msk [tilespmem:v6+s17+$0x0], $0xffff;
	[tilespmem:s30+$0x90] =	vst v63  }
.LBB2_4:
0x9a: {  	v6 =	vld [tilespmem:s0+$0x0];
	s31 =	sadd.s32 $0x80, s31;
	[tilespmem:s30+$0xA0] =	vst v0  }
0x9b: {  	v0 =	vld [tilespmem:s0+$0xFFFFFFA0];
	p0 =	slt.u32 s31, $0xF80;
	[tilespmem:s30+$0xB0] =	vst v1  }
0x9c: {  	v1 =	vld [tilespmem:s0+$0xFFFFFFB0];
	[tilespmem:s30+$0xC0] =	vst v3  }
0x9d: {  	v3 =	vld [tilespmem:s0+$0xFFFFFFC0];
	[tilespmem:s30+$0x80] =	vst v2  }
0x9e: {  	v2 =	vld [tilespmem:s0+$0xFFFFFFD0];
	[tilespmem:s30+$0xD0] =	vst v4  }
0x9f: {  	v4 =	vld [tilespmem:s0+$0xFFFFFFE0];
	[tilespmem:s30+$0xE0] =	vst v5  }
0xa0: {  	v5 =	vadd.s32 $0x80, v0;
	v7 =	vadd.s32 $0x100, v0;
	v8 =	vadd.s32 $0x180, v0;
	v9 =	vld [tilespmem:s0+$0xFFFFFFF0]  }
0xa1: {  	v10 =	vld [tilespmem:s0+$0xFFFFFF90];
	v11 =	vadd.s32 $0x80, v1;
	v12 =	vadd.s32 $0x100, v1;
	v13 =	vadd.s32 $0x180, v1  }
0xa2: {  	v14 =	vadd.s32 $0x80, v3;
	v15 =	vadd.s32 $0x100, v3;
	v16 =	vadd.s32 $0x180, v3;
	v17 =	vld.idx.msk [tilespmem:v6+s17+$0x0], $0xffff  }
0xa3: {  	v0 =	vld.idx.msk [tilespmem:v0+s17+$0x0], $0xffff;
	v18 =	vadd.s32 $0x80, v2;
	v19 =	vadd.s32 $0x100, v2;
	v20 =	vadd.s32 $0x180, v2  }
0xa4: {  	v23 =	vadd.s32 $0x80, v6;
	v1 =	vld.idx.msk [tilespmem:v1+s17+$0x0], $0xffff;
	v21 =	vadd.s32 $0x80, v4;
	v22 =	vadd.s32 $0x100, v4  }
0xa5: {  	v24 =	vadd.s32 $0x180, v4;
	v3 =	vld.idx.msk [tilespmem:v3+s17+$0x0], $0xffff;
	v25 =	vadd.s32 $0x80, v9;
	v26 =	vadd.s32 $0x100, v9  }
0xa6: {  	v27 =	vadd.s32 $0x80, v10;
	v28 =	vadd.s32 $0x100, v10;
	v29 =	vadd.s32 $0x180, v10;
	v2 =	vld.idx.msk [tilespmem:v2+s17+$0x0], $0xffff  }
0xa7: {  	s30 =	sadd.s32 $0x200, s30;
	v30 =	vadd.s32 $0x180, v9;
	v4 =	vld.idx.msk [tilespmem:v4+s17+$0x0], $0xffff  }
0xa8: {  	v9 =	vld.idx.msk [tilespmem:v9+s17+$0x0], $0xffff;
	[tilespmem:s30+$0xFFFFFF70] =	vst v17  }
0xa9: {  	[tilespmem:s30+$0xFFFFFF10] =	vst v0;
	v0 =	vld.idx.msk [tilespmem:v23+s17+$0x0], $0xffff  }
0xaa: {  	v10 =	vld.idx.msk [tilespmem:v10+s17+$0x0], $0xffff;
	[tilespmem:s30+$0xFFFFFF20] =	vst v1  }
0xab: {  	v1 =	vld.idx.msk [tilespmem:v5+s17+$0x0], $0xffff;
	[tilespmem:s30+$0xFFFFFF30] =	vst v3;
	v3 =	vadd.s32 $0x100, v6  }
0xac: {  	v5 =	vld.idx.msk [tilespmem:v11+s17+$0x0], $0xffff;
	[tilespmem:s30+$0xFFFFFF40] =	vst v2  }
0xad: {  	v2 =	vld.idx.msk [tilespmem:v14+s17+$0x0], $0xffff;
	[tilespmem:s30+$0xFFFFFF50] =	vst v4  }
0xae: {  	v4 =	vld.idx.msk [tilespmem:v18+s17+$0x0], $0xffff;
	[tilespmem:s30+$0xFFFFFF60] =	vst v9  }
0xaf: {  	v9 =	vld.idx.msk [tilespmem:v21+s17+$0x0], $0xffff;
	[tilespmem:s30+$0xFFFFFFF0] =	vst v0  }
0xb0: {  	[tilespmem:s30+$0xFFFFFF00] =	vst v10;
	v0 =	vld.idx.msk [tilespmem:v3+s17+$0x0], $0xffff  }
0xb1: {  	v3 =	vld.idx.msk [tilespmem:v27+s17+$0x0], $0xffff;
	[tilespmem:s30+$0xFFFFFF90] =	vst v1  }
0xb2: {  	[tilespmem:s30+$0xFFFFFFA0] =	vst v5;
	v1 =	vld.idx.msk [tilespmem:v25+s17+$0x0], $0xffff;
	v5 =	vadd.s32 $0x180, v6  }
0xb3: {  	v6 =	vld.idx.msk [tilespmem:v7+s17+$0x0], $0xffff;
	[tilespmem:s30+$0xFFFFFFB0] =	vst v2  }
0xb4: {  	v2 =	vld.idx.msk [tilespmem:v12+s17+$0x0], $0xffff;
	[tilespmem:s30+$0xFFFFFFC0] =	vst v4  }
0xb5: {  	v4 =	vld.idx.msk [tilespmem:v15+s17+$0x0], $0xffff;
	[tilespmem:s30+$0xFFFFFFD0] =	vst v9  }
0xb6: {  	v7 =	vld.idx.msk [tilespmem:v19+s17+$0x0], $0xffff;
	[tilespmem:s30+$0x70] =	vst v0  }
0xb7: {  	[tilespmem:s30+$0xFFFFFF80] =	vst v3;
	v3 =	vld.idx.msk [tilespmem:v5+s17+$0x0], $0xffff  }
0xb8: {  	v5 =	vld.idx.msk [tilespmem:v28+s17+$0x0], $0xffff;
	[tilespmem:s30+$0xFFFFFFE0] =	vst v1  }
0xb9: {  	[tilespmem:s30+$0x10] =	vst v6;
	v6 =	vld.idx.msk [tilespmem:v22+s17+$0x0], $0xffff  }
0xba: {  	[tilespmem:s30+$0x20] =	vst v2;
	v9 =	vld.idx.msk [tilespmem:v26+s17+$0x0], $0xffff  }
0xbb: {  	v8 =	vld.idx.msk [tilespmem:v8+s17+$0x0], $0xffff;
	[tilespmem:s30+$0x30] =	vst v4  }
0xbc: {  	v0 =	vld.idx.msk [tilespmem:v13+s17+$0x0], $0xffff;
	[tilespmem:s30+$0x40] =	vst v7  }
.Ltmp1:
0xbd: {  	v1 =	vld.idx.msk [tilespmem:v16+s17+$0x0], $0xffff;
	[tilespmem:s30+$0xF0] =	vst v3;
	(pc) =	sbr.rel @p0 .LBB2_4-.Ltmp1, $4  }
0xbe: {  	[tilespmem:s30+$0x0] =	vst v5;
	v3 =	vld.idx.msk [tilespmem:v20+s17+$0x0], $0xffff  }
0xbf: {  	v2 =	vld.idx.msk [tilespmem:v29+s17+$0x0], $0xffff;
	[tilespmem:s30+$0x50] =	vst v6  }
0xc0: {  	v4 =	vld.idx.msk [tilespmem:v24+s17+$0x0], $0xffff;
	[tilespmem:s30+$0x60] =	vst v9  }
0xc1: {  	s0 =	sadd.s32 $0x80, s0;
	[tilespmem:s30+$0x90] =	vst v8;
	v5 =	vld.idx.msk [tilespmem:v30+s17+$0x0], $0xffff  }
0xc2: {  	[tilespmem:s30+$0xA0] =	vst v0  }
0xc3: {  	[tilespmem:s30+$0xB0] =	vst v1  }
0xc4: {  	[tilespmem:s30+$0xC0] =	vst v3  }
0xc5: {  	[tilespmem:s30+$0x80] =	vst v2  }
0xc6: {  	[tilespmem:s30+$0xD0] =	vst v4  }
0xc7: {  	[tilespmem:s30+$0xE0] =	vst v5  }
0xc8: {  	[hbm4b:s7+s2] =	stream.linear.scatter [tilespmem:s22], [sflag:$0x5], $0x4000, $0x38;
	[tilespmem:$0x1E000] =	vst v63  }
0xc9: {  	_ =	swait.ge [sflag:s23], $0x8000  }
0xca: {  	[sflag:s23] =	ssyncset.done $0x0  }
0xcb: {  	s0 =	simm.s32 $0x40;
	[sflag:s23] =	ssyncadd.s32 $0xFFFF8000  }
0xcc: {  	[tilespmem:s17], [sflag:$0x2] =	stream.linear.gather [hbm4b:s8+s2], $0x8000, $0x38;
	[tilespmem:$0x1E000] =	vst v63  }
0xcd: {  	v0 =	vld [tilespmem:s0+$0x30]  }
0xce: {  	v1 =	vld [tilespmem:s0+$0xFFFFFFD0]  }
0xcf: {  	v2 =	vld [tilespmem:s0+$0xFFFFFFE0]  }
0xd0: {  	v3 =	vld [tilespmem:s0+$0xFFFFFFF0]  }
0xd1: {  	v4 =	vld [tilespmem:s0+$0x0]  }
0xd2: {  	v5 =	vld [tilespmem:s0+$0x10]  }
0xd3: {  	v6 =	vld [tilespmem:s0+$0x20]  }
0xd4: {  	v7 =	vld [tilespmem:s0+$0xFFFFFFC0]  }
0xd5: {  	v8 =	vld.idx.msk [tilespmem:v0+s20+$0x0], $0xffff  }
0xd6: {  	v9 =	vld.idx.msk [tilespmem:v1+s20+$0x0], $0xffff  }
0xd7: {  	v10 =	vld.idx.msk [tilespmem:v2+s20+$0x0], $0xffff  }
0xd8: {  	v11 =	vadd.s32 $0x80, v0;
	v12 =	vld.idx.msk [tilespmem:v3+s20+$0x0], $0xffff  }
0xd9: {  	v13 =	vadd.s32 $0x80, v1;
	v14 =	vld.idx.msk [tilespmem:v4+s20+$0x0], $0xffff  }
0xda: {  	s30 =	simm.s32 $0x1A100;
	v15 =	vadd.s32 $0x80, v2;
	v16 =	vld.idx.msk [tilespmem:v5+s20+$0x0], $0xffff  }
0xdb: {  	v17 =	vadd.s32 $0x80, v3;
	v18 =	vld.idx.msk [tilespmem:v6+s20+$0x0], $0xffff;
	[tilespmem:s30+$0xFFFFFF70] =	vst v8  }
0xdc: {  	v44 =	vadd.s32 $0x80, v4;
	v19 =	vld.idx.msk [tilespmem:v7+s20+$0x0], $0xffff;
	[tilespmem:s30+$0xFFFFFF10] =	vst v9  }
0xdd: {  	v46 =	vadd.s32 $0x80, v5;
	[tilespmem:s30+$0xFFFFFF20] =	vst v10;
	v45 =	vld.idx.msk [tilespmem:v11+s20+$0x0], $0xffff  }
0xde: {  	v49 =	vadd.s32 $0x80, v7;
	[tilespmem:s30+$0xFFFFFF30] =	vst v12;
	v47 =	vld.idx.msk [tilespmem:v13+s20+$0x0], $0xffff  }
0xdf: {  	v50 =	vadd.s32 $0x80, v6;
	[tilespmem:s30+$0xFFFFFF40] =	vst v14;
	v15 =	vld.idx.msk [tilespmem:v15+s20+$0x0], $0xffff  }
0xe0: {  	v48 =	vadd.s32 $0x100, v0;
	[tilespmem:s30+$0xFFFFFF50] =	vst v16;
	v17 =	vld.idx.msk [tilespmem:v17+s20+$0x0], $0xffff  }
0xe1: {  	v51 =	vadd.s32 $0x100, v1;
	[tilespmem:s30+$0xFFFFFF60] =	vst v18;
	v8 =	vld.idx.msk [tilespmem:v44+s20+$0x0], $0xffff  }
0xe2: {  	v52 =	vadd.s32 $0x100, v2;
	[tilespmem:s30+$0xFFFFFF00] =	vst v19;
	v11 =	vld.idx.msk [tilespmem:v46+s20+$0x0], $0xffff  }
0xe3: {  	v53 =	vadd.s32 $0x100, v3;
	v13 =	vld.idx.msk [tilespmem:v49+s20+$0x0], $0xffff;
	[tilespmem:s30+$0xFFFFFFF0] =	vst v45  }
0xe4: {  	v54 =	vadd.s32 $0x100, v4;
	v55 =	vld.idx.msk [tilespmem:v50+s20+$0x0], $0xffff;
	[tilespmem:s30+$0xFFFFFF90] =	vst v47  }
0xe5: {  	v56 =	vadd.s32 $0x100, v7;
	[tilespmem:s30+$0xFFFFFFA0] =	vst v15;
	v12 =	vld.idx.msk [tilespmem:v48+s20+$0x0], $0xffff  }
0xe6: {  	v58 =	vadd.s32 $0x100, v5;
	[tilespmem:s30+$0xFFFFFFB0] =	vst v17;
	v57 =	vld.idx.msk [tilespmem:v51+s20+$0x0], $0xffff  }
0xe7: {  	v60 =	vadd.s32 $0x100, v6;
	[tilespmem:s30+$0xFFFFFFC0] =	vst v8;
	v59 =	vld.idx.msk [tilespmem:v52+s20+$0x0], $0xffff  }
0xe8: {  	v0 =	vadd.s32 $0x180, v0;
	[tilespmem:s30+$0xFFFFFFD0] =	vst v11;
	v9 =	vld.idx.msk [tilespmem:v53+s20+$0x0], $0xffff  }
0xe9: {  	v1 =	vadd.s32 $0x180, v1;
	[tilespmem:s30+$0xFFFFFF80] =	vst v13;
	v61 =	vld.idx.msk [tilespmem:v54+s20+$0x0], $0xffff  }
0xea: {  	v2 =	vadd.s32 $0x180, v2;
	[tilespmem:s30+$0xFFFFFFE0] =	vst v55;
	v13 =	vld.idx.msk [tilespmem:v56+s20+$0x0], $0xffff  }
0xeb: {  	v3 =	vadd.s32 $0x180, v3;
	v62 =	vld.idx.msk [tilespmem:v58+s20+$0x0], $0xffff;
	[tilespmem:s30+$0x70] =	vst v12  }
0xec: {  	v4 =	vadd.s32 $0x180, v4;
	v8 =	vld.idx.msk [tilespmem:v60+s20+$0x0], $0xffff;
	[tilespmem:s30+$0x10] =	vst v57  }
0xed: {  	v7 =	vadd.s32 $0x180, v7;
	[tilespmem:s30+$0x20] =	vst v59;
	v12 =	vld.idx.msk [tilespmem:v0+s20+$0x0], $0xffff  }
0xee: {  	v5 =	vadd.s32 $0x180, v5;
	[tilespmem:s30+$0x30] =	vst v9;
	v63 =	vld.idx.msk [tilespmem:v1+s20+$0x0], $0xffff  }
0xef: {  	v6 =	vadd.s32 $0x180, v6;
	[tilespmem:s30+$0x40] =	vst v61;
	v0 =	vld.idx.msk [tilespmem:v2+s20+$0x0], $0xffff  }
0xf0: {  	[tilespmem:s30+$0x0] =	vst v13;
	v1 =	vld.idx.msk [tilespmem:v3+s20+$0x0], $0xffff  }
0xf1: {  	[tilespmem:s30+$0x50] =	vst v62;
	v3 =	vld.idx.msk [tilespmem:v4+s20+$0x0], $0xffff  }
0xf2: {  	[tilespmem:s30+$0x60] =	vst v8;
	v2 =	vld.idx.msk [tilespmem:v7+s20+$0x0], $0xffff  }
0xf3: {  	v4 =	vld.idx.msk [tilespmem:v5+s20+$0x0], $0xffff;
	[tilespmem:s30+$0xF0] =	vst v12  }
0xf4: {  	s31 =	simm.s32 $0x0;
	s0 =	simm.s32 $0xC0;
	v5 =	vld.idx.msk [tilespmem:v6+s20+$0x0], $0xffff;
	[tilespmem:s30+$0x90] =	vst v63  }
.LBB2_6:
0xf5: {  	v6 =	vld [tilespmem:s0+$0x30];
	s31 =	sadd.s32 $0x80, s31;
	[tilespmem:s30+$0xA0] =	vst v0  }
0xf6: {  	v0 =	vld [tilespmem:s0+$0xFFFFFFD0];
	p0 =	slt.u32 s31, $0xF80;
	[tilespmem:s30+$0xB0] =	vst v1  }
0xf7: {  	v1 =	vld [tilespmem:s0+$0xFFFFFFE0];
	[tilespmem:s30+$0xC0] =	vst v3  }
0xf8: {  	v3 =	vld [tilespmem:s0+$0xFFFFFFF0];
	[tilespmem:s30+$0x80] =	vst v2  }
0xf9: {  	v2 =	vld [tilespmem:s0+$0x0];
	[tilespmem:s30+$0xD0] =	vst v4  }
0xfa: {  	v4 =	vld [tilespmem:s0+$0x10];
	[tilespmem:s30+$0xE0] =	vst v5  }
0xfb: {  	v5 =	vadd.s32 $0x80, v0;
	v7 =	vadd.s32 $0x100, v0;
	v8 =	vadd.s32 $0x180, v0;
	v9 =	vld [tilespmem:s0+$0x20]  }
0xfc: {  	v10 =	vld [tilespmem:s0+$0xFFFFFFC0];
	v11 =	vadd.s32 $0x80, v1;
	v12 =	vadd.s32 $0x100, v1;
	v13 =	vadd.s32 $0x180, v1  }
0xfd: {  	v14 =	vadd.s32 $0x80, v3;
	v15 =	vadd.s32 $0x100, v3;
	v16 =	vadd.s32 $0x180, v3;
	v17 =	vld.idx.msk [tilespmem:v6+s20+$0x0], $0xffff  }
0xfe: {  	v0 =	vld.idx.msk [tilespmem:v0+s20+$0x0], $0xffff;
	v18 =	vadd.s32 $0x80, v2;
	v19 =	vadd.s32 $0x100, v2;
	v20 =	vadd.s32 $0x180, v2  }
0xff: {  	v23 =	vadd.s32 $0x80, v6;
	v1 =	vld.idx.msk [tilespmem:v1+s20+$0x0], $0xffff;
	v21 =	vadd.s32 $0x80, v4;
	v22 =	vadd.s32 $0x100, v4  }
0x100: {  	v24 =	vadd.s32 $0x180, v4;
	v3 =	vld.idx.msk [tilespmem:v3+s20+$0x0], $0xffff;
	v25 =	vadd.s32 $0x80, v9;
	v26 =	vadd.s32 $0x100, v9  }
0x101: {  	v27 =	vadd.s32 $0x80, v10;
	v28 =	vadd.s32 $0x100, v10;
	v29 =	vadd.s32 $0x180, v10;
	v2 =	vld.idx.msk [tilespmem:v2+s20+$0x0], $0xffff  }
0x102: {  	s30 =	sadd.s32 $0x200, s30;
	v30 =	vadd.s32 $0x180, v9;
	v4 =	vld.idx.msk [tilespmem:v4+s20+$0x0], $0xffff  }
0x103: {  	v9 =	vld.idx.msk [tilespmem:v9+s20+$0x0], $0xffff;
	[tilespmem:s30+$0xFFFFFF70] =	vst v17  }
0x104: {  	[tilespmem:s30+$0xFFFFFF10] =	vst v0;
	v0 =	vld.idx.msk [tilespmem:v23+s20+$0x0], $0xffff  }
0x105: {  	v10 =	vld.idx.msk [tilespmem:v10+s20+$0x0], $0xffff;
	[tilespmem:s30+$0xFFFFFF20] =	vst v1  }
0x106: {  	v1 =	vld.idx.msk [tilespmem:v5+s20+$0x0], $0xffff;
	[tilespmem:s30+$0xFFFFFF30] =	vst v3;
	v3 =	vadd.s32 $0x100, v6  }
0x107: {  	v5 =	vld.idx.msk [tilespmem:v11+s20+$0x0], $0xffff;
	[tilespmem:s30+$0xFFFFFF40] =	vst v2  }
0x108: {  	v2 =	vld.idx.msk [tilespmem:v14+s20+$0x0], $0xffff;
	[tilespmem:s30+$0xFFFFFF50] =	vst v4  }
0x109: {  	v4 =	vld.idx.msk [tilespmem:v18+s20+$0x0], $0xffff;
	[tilespmem:s30+$0xFFFFFF60] =	vst v9  }
0x10a: {  	v9 =	vld.idx.msk [tilespmem:v21+s20+$0x0], $0xffff;
	[tilespmem:s30+$0xFFFFFFF0] =	vst v0  }
0x10b: {  	[tilespmem:s30+$0xFFFFFF00] =	vst v10;
	v0 =	vld.idx.msk [tilespmem:v3+s20+$0x0], $0xffff  }
0x10c: {  	v3 =	vld.idx.msk [tilespmem:v27+s20+$0x0], $0xffff;
	[tilespmem:s30+$0xFFFFFF90] =	vst v1  }
0x10d: {  	[tilespmem:s30+$0xFFFFFFA0] =	vst v5;
	v1 =	vld.idx.msk [tilespmem:v25+s20+$0x0], $0xffff;
	v5 =	vadd.s32 $0x180, v6  }
0x10e: {  	v6 =	vld.idx.msk [tilespmem:v7+s20+$0x0], $0xffff;
	[tilespmem:s30+$0xFFFFFFB0] =	vst v2  }
0x10f: {  	v2 =	vld.idx.msk [tilespmem:v12+s20+$0x0], $0xffff;
	[tilespmem:s30+$0xFFFFFFC0] =	vst v4  }
0x110: {  	v4 =	vld.idx.msk [tilespmem:v15+s20+$0x0], $0xffff;
	[tilespmem:s30+$0xFFFFFFD0] =	vst v9  }
0x111: {  	v7 =	vld.idx.msk [tilespmem:v19+s20+$0x0], $0xffff;
	[tilespmem:s30+$0x70] =	vst v0  }
0x112: {  	[tilespmem:s30+$0xFFFFFF80] =	vst v3;
	v3 =	vld.idx.msk [tilespmem:v5+s20+$0x0], $0xffff  }
0x113: {  	v5 =	vld.idx.msk [tilespmem:v28+s20+$0x0], $0xffff;
	[tilespmem:s30+$0xFFFFFFE0] =	vst v1  }
0x114: {  	[tilespmem:s30+$0x10] =	vst v6;
	v6 =	vld.idx.msk [tilespmem:v22+s20+$0x0], $0xffff  }
0x115: {  	[tilespmem:s30+$0x20] =	vst v2;
	v9 =	vld.idx.msk [tilespmem:v26+s20+$0x0], $0xffff  }
0x116: {  	v8 =	vld.idx.msk [tilespmem:v8+s20+$0x0], $0xffff;
	[tilespmem:s30+$0x30] =	vst v4  }
0x117: {  	v0 =	vld.idx.msk [tilespmem:v13+s20+$0x0], $0xffff;
	[tilespmem:s30+$0x40] =	vst v7  }
.Ltmp2:
0x118: {  	v1 =	vld.idx.msk [tilespmem:v16+s20+$0x0], $0xffff;
	[tilespmem:s30+$0xF0] =	vst v3;
	(pc) =	sbr.rel @p0 .LBB2_6-.Ltmp2, $4  }
0x119: {  	[tilespmem:s30+$0x0] =	vst v5;
	v3 =	vld.idx.msk [tilespmem:v20+s20+$0x0], $0xffff  }
0x11a: {  	v2 =	vld.idx.msk [tilespmem:v29+s20+$0x0], $0xffff;
	[tilespmem:s30+$0x50] =	vst v6  }
0x11b: {  	v4 =	vld.idx.msk [tilespmem:v24+s20+$0x0], $0xffff;
	[tilespmem:s30+$0x60] =	vst v9  }
0x11c: {  	s0 =	sadd.s32 $0x80, s0;
	[tilespmem:s30+$0x90] =	vst v8;
	v5 =	vld.idx.msk [tilespmem:v30+s20+$0x0], $0xffff  }
0x11d: {  	[tilespmem:s30+$0xA0] =	vst v0  }
0x11e: {  	[tilespmem:s30+$0xB0] =	vst v1  }
0x11f: {  	[tilespmem:s30+$0xC0] =	vst v3  }
0x120: {  	[tilespmem:s30+$0x80] =	vst v2  }
0x121: {  	[tilespmem:s30+$0xD0] =	vst v4  }
0x122: {  	[tilespmem:s30+$0xE0] =	vst v5  }
0x123: {  	[hbm4b:s9+s2] =	stream.linear.scatter [tilespmem:s24], [sflag:$0x6], $0x4000, $0x38;
	[tilespmem:$0x1E000] =	vst v63  }
0x124: {  	_ =	swait.ge [sflag:s25], $0x4000  }
0x125: {  	[sflag:s25] =	ssyncset.done $0x0  }
0x126: {  	s0 =	simm.s32 $0x1070;
	[sflag:s25] =	ssyncadd.s32 $0xFFFFC000  }
0x127: {  	v0 =	vld [tilespmem:s0+$0x0]  }
0x128: {  	v1 =	vld [tilespmem:s0+$0xFFFFFFA0]  }
0x129: {  	v2 =	vld [tilespmem:s0+$0xFFFFFFB0]  }
0x12a: {  	v3 =	vld [tilespmem:s0+$0xFFFFFFC0]  }
0x12b: {  	v4 =	vld [tilespmem:s0+$0xFFFFFFD0]  }
0x12c: {  	v5 =	vld [tilespmem:s0+$0xFFFFFFE0]  }
0x12d: {  	v6 =	vld [tilespmem:s0+$0xFFFFFFF0]  }
0x12e: {  	v7 =	vld [tilespmem:s0+$0xFFFFFF90]  }
0x12f: {  	v8 =	vld.idx.msk [tilespmem:v0+s20+$0x0], $0xffff  }
0x130: {  	v9 =	vld.idx.msk [tilespmem:v1+s20+$0x0], $0xffff  }
0x131: {  	v10 =	vld.idx.msk [tilespmem:v2+s20+$0x0], $0xffff  }
0x132: {  	v11 =	vadd.s32 $0x80, v0;
	v12 =	vld.idx.msk [tilespmem:v3+s20+$0x0], $0xffff  }
0x133: {  	v13 =	vadd.s32 $0x80, v1;
	v14 =	vld.idx.msk [tilespmem:v4+s20+$0x0], $0xffff  }
0x134: {  	s30 =	simm.s32 $0x12100;
	v15 =	vadd.s32 $0x80, v2;
	v16 =	vld.idx.msk [tilespmem:v5+s20+$0x0], $0xffff  }
0x135: {  	v17 =	vadd.s32 $0x80, v3;
	v18 =	vld.idx.msk [tilespmem:v6+s20+$0x0], $0xffff;
	[tilespmem:s30+$0xFFFFFF70] =	vst v8  }
0x136: {  	v44 =	vadd.s32 $0x80, v4;
	v19 =	vld.idx.msk [tilespmem:v7+s20+$0x0], $0xffff;
	[tilespmem:s30+$0xFFFFFF10] =	vst v9  }
0x137: {  	v46 =	vadd.s32 $0x80, v5;
	[tilespmem:s30+$0xFFFFFF20] =	vst v10;
	v45 =	vld.idx.msk [tilespmem:v11+s20+$0x0], $0xffff  }
0x138: {  	v49 =	vadd.s32 $0x80, v7;
	[tilespmem:s30+$0xFFFFFF30] =	vst v12;
	v47 =	vld.idx.msk [tilespmem:v13+s20+$0x0], $0xffff  }
0x139: {  	v50 =	vadd.s32 $0x80, v6;
	[tilespmem:s30+$0xFFFFFF40] =	vst v14;
	v15 =	vld.idx.msk [tilespmem:v15+s20+$0x0], $0xffff  }
0x13a: {  	v48 =	vadd.s32 $0x100, v0;
	[tilespmem:s30+$0xFFFFFF50] =	vst v16;
	v17 =	vld.idx.msk [tilespmem:v17+s20+$0x0], $0xffff  }
0x13b: {  	v51 =	vadd.s32 $0x100, v1;
	[tilespmem:s30+$0xFFFFFF60] =	vst v18;
	v8 =	vld.idx.msk [tilespmem:v44+s20+$0x0], $0xffff  }
0x13c: {  	v52 =	vadd.s32 $0x100, v2;
	[tilespmem:s30+$0xFFFFFF00] =	vst v19;
	v11 =	vld.idx.msk [tilespmem:v46+s20+$0x0], $0xffff  }
0x13d: {  	v53 =	vadd.s32 $0x100, v3;
	v13 =	vld.idx.msk [tilespmem:v49+s20+$0x0], $0xffff;
	[tilespmem:s30+$0xFFFFFFF0] =	vst v45  }
0x13e: {  	v54 =	vadd.s32 $0x100, v4;
	v55 =	vld.idx.msk [tilespmem:v50+s20+$0x0], $0xffff;
	[tilespmem:s30+$0xFFFFFF90] =	vst v47  }
0x13f: {  	v56 =	vadd.s32 $0x100, v7;
	[tilespmem:s30+$0xFFFFFFA0] =	vst v15;
	v12 =	vld.idx.msk [tilespmem:v48+s20+$0x0], $0xffff  }
0x140: {  	v58 =	vadd.s32 $0x100, v5;
	[tilespmem:s30+$0xFFFFFFB0] =	vst v17;
	v57 =	vld.idx.msk [tilespmem:v51+s20+$0x0], $0xffff  }
0x141: {  	v60 =	vadd.s32 $0x100, v6;
	[tilespmem:s30+$0xFFFFFFC0] =	vst v8;
	v59 =	vld.idx.msk [tilespmem:v52+s20+$0x0], $0xffff  }
0x142: {  	v0 =	vadd.s32 $0x180, v0;
	[tilespmem:s30+$0xFFFFFFD0] =	vst v11;
	v9 =	vld.idx.msk [tilespmem:v53+s20+$0x0], $0xffff  }
0x143: {  	v1 =	vadd.s32 $0x180, v1;
	[tilespmem:s30+$0xFFFFFF80] =	vst v13;
	v61 =	vld.idx.msk [tilespmem:v54+s20+$0x0], $0xffff  }
0x144: {  	v2 =	vadd.s32 $0x180, v2;
	[tilespmem:s30+$0xFFFFFFE0] =	vst v55;
	v13 =	vld.idx.msk [tilespmem:v56+s20+$0x0], $0xffff  }
0x145: {  	v3 =	vadd.s32 $0x180, v3;
	v62 =	vld.idx.msk [tilespmem:v58+s20+$0x0], $0xffff;
	[tilespmem:s30+$0x70] =	vst v12  }
0x146: {  	v4 =	vadd.s32 $0x180, v4;
	v8 =	vld.idx.msk [tilespmem:v60+s20+$0x0], $0xffff;
	[tilespmem:s30+$0x10] =	vst v57  }
0x147: {  	v7 =	vadd.s32 $0x180, v7;
	[tilespmem:s30+$0x20] =	vst v59;
	v12 =	vld.idx.msk [tilespmem:v0+s20+$0x0], $0xffff  }
0x148: {  	v5 =	vadd.s32 $0x180, v5;
	[tilespmem:s30+$0x30] =	vst v9;
	v63 =	vld.idx.msk [tilespmem:v1+s20+$0x0], $0xffff  }
0x149: {  	v6 =	vadd.s32 $0x180, v6;
	[tilespmem:s30+$0x40] =	vst v61;
	v0 =	vld.idx.msk [tilespmem:v2+s20+$0x0], $0xffff  }
0x14a: {  	[tilespmem:s30+$0x0] =	vst v13;
	v1 =	vld.idx.msk [tilespmem:v3+s20+$0x0], $0xffff  }
0x14b: {  	[tilespmem:s30+$0x50] =	vst v62;
	v3 =	vld.idx.msk [tilespmem:v4+s20+$0x0], $0xffff  }
0x14c: {  	[tilespmem:s30+$0x60] =	vst v8;
	v2 =	vld.idx.msk [tilespmem:v7+s20+$0x0], $0xffff  }
0x14d: {  	v4 =	vld.idx.msk [tilespmem:v5+s20+$0x0], $0xffff;
	[tilespmem:s30+$0xF0] =	vst v12  }
0x14e: {  	s31 =	simm.s32 $0x0;
	s0 =	simm.s32 $0x10F0;
	v5 =	vld.idx.msk [tilespmem:v6+s20+$0x0], $0xffff;
	[tilespmem:s30+$0x90] =	vst v63  }
.LBB2_8:
0x14f: {  	v6 =	vld [tilespmem:s0+$0x0];
	s31 =	sadd.s32 $0x80, s31;
	[tilespmem:s30+$0xA0] =	vst v0  }
0x150: {  	v0 =	vld [tilespmem:s0+$0xFFFFFFA0];
	p0 =	slt.u32 s31, $0xF80;
	[tilespmem:s30+$0xB0] =	vst v1  }
0x151: {  	v1 =	vld [tilespmem:s0+$0xFFFFFFB0];
	[tilespmem:s30+$0xC0] =	vst v3  }
0x152: {  	v3 =	vld [tilespmem:s0+$0xFFFFFFC0];
	[tilespmem:s30+$0x80] =	vst v2  }
0x153: {  	v2 =	vld [tilespmem:s0+$0xFFFFFFD0];
	[tilespmem:s30+$0xD0] =	vst v4  }
0x154: {  	v4 =	vld [tilespmem:s0+$0xFFFFFFE0];
	[tilespmem:s30+$0xE0] =	vst v5  }
0x155: {  	v5 =	vadd.s32 $0x80, v0;
	v7 =	vadd.s32 $0x100, v0;
	v8 =	vadd.s32 $0x180, v0;
	v9 =	vld [tilespmem:s0+$0xFFFFFFF0]  }
0x156: {  	v10 =	vld [tilespmem:s0+$0xFFFFFF90];
	v11 =	vadd.s32 $0x80, v1;
	v12 =	vadd.s32 $0x100, v1;
	v13 =	vadd.s32 $0x180, v1  }
0x157: {  	v14 =	vadd.s32 $0x80, v3;
	v15 =	vadd.s32 $0x100, v3;
	v16 =	vadd.s32 $0x180, v3;
	v17 =	vld.idx.msk [tilespmem:v6+s20+$0x0], $0xffff  }
0x158: {  	v0 =	vld.idx.msk [tilespmem:v0+s20+$0x0], $0xffff;
	v18 =	vadd.s32 $0x80, v2;
	v19 =	vadd.s32 $0x100, v2;
	v20 =	vadd.s32 $0x180, v2  }
0x159: {  	v23 =	vadd.s32 $0x80, v6;
	v1 =	vld.idx.msk [tilespmem:v1+s20+$0x0], $0xffff;
	v21 =	vadd.s32 $0x80, v4;
	v22 =	vadd.s32 $0x100, v4  }
0x15a: {  	v24 =	vadd.s32 $0x180, v4;
	v3 =	vld.idx.msk [tilespmem:v3+s20+$0x0], $0xffff;
	v25 =	vadd.s32 $0x80, v9;
	v26 =	vadd.s32 $0x100, v9  }
0x15b: {  	v27 =	vadd.s32 $0x80, v10;
	v28 =	vadd.s32 $0x100, v10;
	v29 =	vadd.s32 $0x180, v10;
	v2 =	vld.idx.msk [tilespmem:v2+s20+$0x0], $0xffff  }
0x15c: {  	s30 =	sadd.s32 $0x200, s30;
	v30 =	vadd.s32 $0x180, v9;
	v4 =	vld.idx.msk [tilespmem:v4+s20+$0x0], $0xffff  }
0x15d: {  	v9 =	vld.idx.msk [tilespmem:v9+s20+$0x0], $0xffff;
	[tilespmem:s30+$0xFFFFFF70] =	vst v17  }
0x15e: {  	[tilespmem:s30+$0xFFFFFF10] =	vst v0;
	v0 =	vld.idx.msk [tilespmem:v23+s20+$0x0], $0xffff  }
0x15f: {  	v10 =	vld.idx.msk [tilespmem:v10+s20+$0x0], $0xffff;
	[tilespmem:s30+$0xFFFFFF20] =	vst v1  }
0x160: {  	v1 =	vld.idx.msk [tilespmem:v5+s20+$0x0], $0xffff;
	[tilespmem:s30+$0xFFFFFF30] =	vst v3;
	v3 =	vadd.s32 $0x100, v6  }
0x161: {  	v5 =	vld.idx.msk [tilespmem:v11+s20+$0x0], $0xffff;
	[tilespmem:s30+$0xFFFFFF40] =	vst v2  }
0x162: {  	v2 =	vld.idx.msk [tilespmem:v14+s20+$0x0], $0xffff;
	[tilespmem:s30+$0xFFFFFF50] =	vst v4  }
0x163: {  	v4 =	vld.idx.msk [tilespmem:v18+s20+$0x0], $0xffff;
	[tilespmem:s30+$0xFFFFFF60] =	vst v9  }
0x164: {  	v9 =	vld.idx.msk [tilespmem:v21+s20+$0x0], $0xffff;
	[tilespmem:s30+$0xFFFFFFF0] =	vst v0  }
0x165: {  	[tilespmem:s30+$0xFFFFFF00] =	vst v10;
	v0 =	vld.idx.msk [tilespmem:v3+s20+$0x0], $0xffff  }
0x166: {  	v3 =	vld.idx.msk [tilespmem:v27+s20+$0x0], $0xffff;
	[tilespmem:s30+$0xFFFFFF90] =	vst v1  }
0x167: {  	[tilespmem:s30+$0xFFFFFFA0] =	vst v5;
	v1 =	vld.idx.msk [tilespmem:v25+s20+$0x0], $0xffff;
	v5 =	vadd.s32 $0x180, v6  }
0x168: {  	v6 =	vld.idx.msk [tilespmem:v7+s20+$0x0], $0xffff;
	[tilespmem:s30+$0xFFFFFFB0] =	vst v2  }
0x169: {  	v2 =	vld.idx.msk [tilespmem:v12+s20+$0x0], $0xffff;
	[tilespmem:s30+$0xFFFFFFC0] =	vst v4  }
0x16a: {  	v4 =	vld.idx.msk [tilespmem:v15+s20+$0x0], $0xffff;
	[tilespmem:s30+$0xFFFFFFD0] =	vst v9  }
0x16b: {  	v7 =	vld.idx.msk [tilespmem:v19+s20+$0x0], $0xffff;
	[tilespmem:s30+$0x70] =	vst v0  }
0x16c: {  	[tilespmem:s30+$0xFFFFFF80] =	vst v3;
	v3 =	vld.idx.msk [tilespmem:v5+s20+$0x0], $0xffff  }
0x16d: {  	v5 =	vld.idx.msk [tilespmem:v28+s20+$0x0], $0xffff;
	[tilespmem:s30+$0xFFFFFFE0] =	vst v1  }
0x16e: {  	[tilespmem:s30+$0x10] =	vst v6;
	v6 =	vld.idx.msk [tilespmem:v22+s20+$0x0], $0xffff  }
0x16f: {  	[tilespmem:s30+$0x20] =	vst v2;
	v9 =	vld.idx.msk [tilespmem:v26+s20+$0x0], $0xffff  }
0x170: {  	v8 =	vld.idx.msk [tilespmem:v8+s20+$0x0], $0xffff;
	[tilespmem:s30+$0x30] =	vst v4  }
0x171: {  	v0 =	vld.idx.msk [tilespmem:v13+s20+$0x0], $0xffff;
	[tilespmem:s30+$0x40] =	vst v7  }
.Ltmp3:
0x172: {  	v1 =	vld.idx.msk [tilespmem:v16+s20+$0x0], $0xffff;
	[tilespmem:s30+$0xF0] =	vst v3;
	(pc) =	sbr.rel @p0 .LBB2_8-.Ltmp3, $4  }
0x173: {  	[tilespmem:s30+$0x0] =	vst v5;
	v3 =	vld.idx.msk [tilespmem:v20+s20+$0x0], $0xffff  }
0x174: {  	v2 =	vld.idx.msk [tilespmem:v29+s20+$0x0], $0xffff;
	[tilespmem:s30+$0x50] =	vst v6  }
0x175: {  	v4 =	vld.idx.msk [tilespmem:v24+s20+$0x0], $0xffff;
	[tilespmem:s30+$0x60] =	vst v9  }
0x176: {  	s0 =	sadd.s32 $0x80, s0;
	[tilespmem:s30+$0x90] =	vst v8;
	v5 =	vld.idx.msk [tilespmem:v30+s20+$0x0], $0xffff  }
0x177: {  	[tilespmem:s30+$0xA0] =	vst v0  }
0x178: {  	[tilespmem:s30+$0xB0] =	vst v1  }
0x179: {  	[tilespmem:s30+$0xC0] =	vst v3  }
0x17a: {  	[tilespmem:s30+$0x80] =	vst v2  }
0x17b: {  	[tilespmem:s30+$0xD0] =	vst v4  }
0x17c: {  	[tilespmem:s30+$0xE0] =	vst v5  }
0x17d: {  	[hbm4b:s10+s2] =	stream.linear.scatter [tilespmem:s21], [sflag:$0x4], $0x4000, $0x38;
	[tilespmem:$0x1E000] =	vst v63  }
0x17e: {  	_ =	swait.ge [sflag:s19], $0x8000  }
0x17f: {  	[sflag:s19] =	ssyncset.done $0x0  }
0x180: {  	[sflag:s19] =	ssyncadd.s32 $0xFFFF8000  }
0x181: {  	[tilespmem:s20], [sflag:$0x3] =	stream.linear.gather [hbm4b:s11+s2], $0x8000, $0x38;
	[tilespmem:$0x1E000] =	vst v63  }
0x182: {  	_ =	swait.ge [sflag:s26], $0x4000  }
0x183: {  	[sflag:s26] =	ssyncset.done $0x0  }
0x184: {  	s0 =	simm.s32 $0x40;
	[sflag:s26] =	ssyncadd.s32 $0xFFFFC000  }
0x185: {  	v0 =	vld [tilespmem:s0+$0x30]  }
0x186: {  	v1 =	vld [tilespmem:s0+$0xFFFFFFD0]  }
0x187: {  	v2 =	vld [tilespmem:s0+$0xFFFFFFE0]  }
0x188: {  	v3 =	vld [tilespmem:s0+$0xFFFFFFF0]  }
0x189: {  	v4 =	vld [tilespmem:s0+$0x0]  }
0x18a: {  	v5 =	vld [tilespmem:s0+$0x10]  }
0x18b: {  	v6 =	vld [tilespmem:s0+$0x20]  }
0x18c: {  	v7 =	vld [tilespmem:s0+$0xFFFFFFC0]  }
0x18d: {  	v8 =	vld.idx.msk [tilespmem:v0+s17+$0x0], $0xffff  }
0x18e: {  	v9 =	vld.idx.msk [tilespmem:v1+s17+$0x0], $0xffff  }
0x18f: {  	v10 =	vld.idx.msk [tilespmem:v2+s17+$0x0], $0xffff  }
0x190: {  	v11 =	vadd.s32 $0x80, v0;
	v12 =	vld.idx.msk [tilespmem:v3+s17+$0x0], $0xffff  }
0x191: {  	v13 =	vadd.s32 $0x80, v1;
	v14 =	vld.idx.msk [tilespmem:v4+s17+$0x0], $0xffff  }
0x192: {  	s30 =	simm.s32 $0x16100;
	v15 =	vadd.s32 $0x80, v2;
	v16 =	vld.idx.msk [tilespmem:v5+s17+$0x0], $0xffff  }
0x193: {  	v17 =	vadd.s32 $0x80, v3;
	v18 =	vld.idx.msk [tilespmem:v6+s17+$0x0], $0xffff;
	[tilespmem:s30+$0xFFFFFF70] =	vst v8  }
0x194: {  	v44 =	vadd.s32 $0x80, v4;
	v19 =	vld.idx.msk [tilespmem:v7+s17+$0x0], $0xffff;
	[tilespmem:s30+$0xFFFFFF10] =	vst v9  }
0x195: {  	v46 =	vadd.s32 $0x80, v5;
	[tilespmem:s30+$0xFFFFFF20] =	vst v10;
	v45 =	vld.idx.msk [tilespmem:v11+s17+$0x0], $0xffff  }
0x196: {  	v49 =	vadd.s32 $0x80, v7;
	[tilespmem:s30+$0xFFFFFF30] =	vst v12;
	v47 =	vld.idx.msk [tilespmem:v13+s17+$0x0], $0xffff  }
0x197: {  	v50 =	vadd.s32 $0x80, v6;
	[tilespmem:s30+$0xFFFFFF40] =	vst v14;
	v15 =	vld.idx.msk [tilespmem:v15+s17+$0x0], $0xffff  }
0x198: {  	v48 =	vadd.s32 $0x100, v0;
	[tilespmem:s30+$0xFFFFFF50] =	vst v16;
	v17 =	vld.idx.msk [tilespmem:v17+s17+$0x0], $0xffff  }
0x199: {  	v51 =	vadd.s32 $0x100, v1;
	[tilespmem:s30+$0xFFFFFF60] =	vst v18;
	v8 =	vld.idx.msk [tilespmem:v44+s17+$0x0], $0xffff  }
0x19a: {  	v52 =	vadd.s32 $0x100, v2;
	[tilespmem:s30+$0xFFFFFF00] =	vst v19;
	v11 =	vld.idx.msk [tilespmem:v46+s17+$0x0], $0xffff  }
0x19b: {  	v53 =	vadd.s32 $0x100, v3;
	v13 =	vld.idx.msk [tilespmem:v49+s17+$0x0], $0xffff;
	[tilespmem:s30+$0xFFFFFFF0] =	vst v45  }
0x19c: {  	v54 =	vadd.s32 $0x100, v4;
	v55 =	vld.idx.msk [tilespmem:v50+s17+$0x0], $0xffff;
	[tilespmem:s30+$0xFFFFFF90] =	vst v47  }
0x19d: {  	v56 =	vadd.s32 $0x100, v7;
	[tilespmem:s30+$0xFFFFFFA0] =	vst v15;
	v12 =	vld.idx.msk [tilespmem:v48+s17+$0x0], $0xffff  }
0x19e: {  	v58 =	vadd.s32 $0x100, v5;
	[tilespmem:s30+$0xFFFFFFB0] =	vst v17;
	v57 =	vld.idx.msk [tilespmem:v51+s17+$0x0], $0xffff  }
0x19f: {  	v60 =	vadd.s32 $0x100, v6;
	[tilespmem:s30+$0xFFFFFFC0] =	vst v8;
	v59 =	vld.idx.msk [tilespmem:v52+s17+$0x0], $0xffff  }
0x1a0: {  	v0 =	vadd.s32 $0x180, v0;
	[tilespmem:s30+$0xFFFFFFD0] =	vst v11;
	v9 =	vld.idx.msk [tilespmem:v53+s17+$0x0], $0xffff  }
0x1a1: {  	v1 =	vadd.s32 $0x180, v1;
	[tilespmem:s30+$0xFFFFFF80] =	vst v13;
	v61 =	vld.idx.msk [tilespmem:v54+s17+$0x0], $0xffff  }
0x1a2: {  	v2 =	vadd.s32 $0x180, v2;
	[tilespmem:s30+$0xFFFFFFE0] =	vst v55;
	v13 =	vld.idx.msk [tilespmem:v56+s17+$0x0], $0xffff  }
0x1a3: {  	v3 =	vadd.s32 $0x180, v3;
	v62 =	vld.idx.msk [tilespmem:v58+s17+$0x0], $0xffff;
	[tilespmem:s30+$0x70] =	vst v12  }
0x1a4: {  	v4 =	vadd.s32 $0x180, v4;
	v8 =	vld.idx.msk [tilespmem:v60+s17+$0x0], $0xffff;
	[tilespmem:s30+$0x10] =	vst v57  }
0x1a5: {  	v7 =	vadd.s32 $0x180, v7;
	[tilespmem:s30+$0x20] =	vst v59;
	v12 =	vld.idx.msk [tilespmem:v0+s17+$0x0], $0xffff  }
0x1a6: {  	v5 =	vadd.s32 $0x180, v5;
	[tilespmem:s30+$0x30] =	vst v9;
	v63 =	vld.idx.msk [tilespmem:v1+s17+$0x0], $0xffff  }
0x1a7: {  	v6 =	vadd.s32 $0x180, v6;
	[tilespmem:s30+$0x40] =	vst v61;
	v0 =	vld.idx.msk [tilespmem:v2+s17+$0x0], $0xffff  }
0x1a8: {  	[tilespmem:s30+$0x0] =	vst v13;
	v1 =	vld.idx.msk [tilespmem:v3+s17+$0x0], $0xffff  }
0x1a9: {  	[tilespmem:s30+$0x50] =	vst v62;
	v3 =	vld.idx.msk [tilespmem:v4+s17+$0x0], $0xffff  }
0x1aa: {  	[tilespmem:s30+$0x60] =	vst v8;
	v2 =	vld.idx.msk [tilespmem:v7+s17+$0x0], $0xffff  }
0x1ab: {  	v4 =	vld.idx.msk [tilespmem:v5+s17+$0x0], $0xffff;
	[tilespmem:s30+$0xF0] =	vst v12  }
0x1ac: {  	s31 =	simm.s32 $0x0;
	s0 =	simm.s32 $0xC0;
	v5 =	vld.idx.msk [tilespmem:v6+s17+$0x0], $0xffff;
	[tilespmem:s30+$0x90] =	vst v63  }
.LBB2_10:
0x1ad: {  	v6 =	vld [tilespmem:s0+$0x30];
	s31 =	sadd.s32 $0x80, s31;
	[tilespmem:s30+$0xA0] =	vst v0  }
0x1ae: {  	v0 =	vld [tilespmem:s0+$0xFFFFFFD0];
	p0 =	slt.u32 s31, $0xF80;
	[tilespmem:s30+$0xB0] =	vst v1  }
0x1af: {  	v1 =	vld [tilespmem:s0+$0xFFFFFFE0];
	[tilespmem:s30+$0xC0] =	vst v3  }
0x1b0: {  	v3 =	vld [tilespmem:s0+$0xFFFFFFF0];
	[tilespmem:s30+$0x80] =	vst v2  }
0x1b1: {  	v2 =	vld [tilespmem:s0+$0x0];
	[tilespmem:s30+$0xD0] =	vst v4  }
0x1b2: {  	v4 =	vld [tilespmem:s0+$0x10];
	[tilespmem:s30+$0xE0] =	vst v5  }
0x1b3: {  	v5 =	vadd.s32 $0x80, v0;
	v7 =	vadd.s32 $0x100, v0;
	v8 =	vadd.s32 $0x180, v0;
	v9 =	vld [tilespmem:s0+$0x20]  }
0x1b4: {  	v10 =	vld [tilespmem:s0+$0xFFFFFFC0];
	v11 =	vadd.s32 $0x80, v1;
	v12 =	vadd.s32 $0x100, v1;
	v13 =	vadd.s32 $0x180, v1  }
0x1b5: {  	v14 =	vadd.s32 $0x80, v3;
	v15 =	vadd.s32 $0x100, v3;
	v16 =	vadd.s32 $0x180, v3;
	v17 =	vld.idx.msk [tilespmem:v6+s17+$0x0], $0xffff  }
0x1b6: {  	v0 =	vld.idx.msk [tilespmem:v0+s17+$0x0], $0xffff;
	v18 =	vadd.s32 $0x80, v2;
	v19 =	vadd.s32 $0x100, v2;
	v20 =	vadd.s32 $0x180, v2  }
0x1b7: {  	v23 =	vadd.s32 $0x80, v6;
	v1 =	vld.idx.msk [tilespmem:v1+s17+$0x0], $0xffff;
	v21 =	vadd.s32 $0x80, v4;
	v22 =	vadd.s32 $0x100, v4  }
0x1b8: {  	v24 =	vadd.s32 $0x180, v4;
	v3 =	vld.idx.msk [tilespmem:v3+s17+$0x0], $0xffff;
	v25 =	vadd.s32 $0x80, v9;
	v26 =	vadd.s32 $0x100, v9  }
0x1b9: {  	v27 =	vadd.s32 $0x80, v10;
	v28 =	vadd.s32 $0x100, v10;
	v29 =	vadd.s32 $0x180, v10;
	v2 =	vld.idx.msk [tilespmem:v2+s17+$0x0], $0xffff  }
0x1ba: {  	s30 =	sadd.s32 $0x200, s30;
	v30 =	vadd.s32 $0x180, v9;
	v4 =	vld.idx.msk [tilespmem:v4+s17+$0x0], $0xffff  }
0x1bb: {  	v9 =	vld.idx.msk [tilespmem:v9+s17+$0x0], $0xffff;
	[tilespmem:s30+$0xFFFFFF70] =	vst v17  }
0x1bc: {  	[tilespmem:s30+$0xFFFFFF10] =	vst v0;
	v0 =	vld.idx.msk [tilespmem:v23+s17+$0x0], $0xffff  }
0x1bd: {  	v10 =	vld.idx.msk [tilespmem:v10+s17+$0x0], $0xffff;
	[tilespmem:s30+$0xFFFFFF20] =	vst v1  }
0x1be: {  	v1 =	vld.idx.msk [tilespmem:v5+s17+$0x0], $0xffff;
	[tilespmem:s30+$0xFFFFFF30] =	vst v3;
	v3 =	vadd.s32 $0x100, v6  }
0x1bf: {  	v5 =	vld.idx.msk [tilespmem:v11+s17+$0x0], $0xffff;
	[tilespmem:s30+$0xFFFFFF40] =	vst v2  }
0x1c0: {  	v2 =	vld.idx.msk [tilespmem:v14+s17+$0x0], $0xffff;
	[tilespmem:s30+$0xFFFFFF50] =	vst v4  }
0x1c1: {  	v4 =	vld.idx.msk [tilespmem:v18+s17+$0x0], $0xffff;
	[tilespmem:s30+$0xFFFFFF60] =	vst v9  }
0x1c2: {  	v9 =	vld.idx.msk [tilespmem:v21+s17+$0x0], $0xffff;
	[tilespmem:s30+$0xFFFFFFF0] =	vst v0  }
0x1c3: {  	[tilespmem:s30+$0xFFFFFF00] =	vst v10;
	v0 =	vld.idx.msk [tilespmem:v3+s17+$0x0], $0xffff  }
0x1c4: {  	v3 =	vld.idx.msk [tilespmem:v27+s17+$0x0], $0xffff;
	[tilespmem:s30+$0xFFFFFF90] =	vst v1  }
0x1c5: {  	[tilespmem:s30+$0xFFFFFFA0] =	vst v5;
	v1 =	vld.idx.msk [tilespmem:v25+s17+$0x0], $0xffff;
	v5 =	vadd.s32 $0x180, v6  }
0x1c6: {  	v6 =	vld.idx.msk [tilespmem:v7+s17+$0x0], $0xffff;
	[tilespmem:s30+$0xFFFFFFB0] =	vst v2  }
0x1c7: {  	v2 =	vld.idx.msk [tilespmem:v12+s17+$0x0], $0xffff;
	[tilespmem:s30+$0xFFFFFFC0] =	vst v4  }
0x1c8: {  	v4 =	vld.idx.msk [tilespmem:v15+s17+$0x0], $0xffff;
	[tilespmem:s30+$0xFFFFFFD0] =	vst v9  }
0x1c9: {  	v7 =	vld.idx.msk [tilespmem:v19+s17+$0x0], $0xffff;
	[tilespmem:s30+$0x70] =	vst v0  }
0x1ca: {  	[tilespmem:s30+$0xFFFFFF80] =	vst v3;
	v3 =	vld.idx.msk [tilespmem:v5+s17+$0x0], $0xffff  }
0x1cb: {  	v5 =	vld.idx.msk [tilespmem:v28+s17+$0x0], $0xffff;
	[tilespmem:s30+$0xFFFFFFE0] =	vst v1  }
0x1cc: {  	[tilespmem:s30+$0x10] =	vst v6;
	v6 =	vld.idx.msk [tilespmem:v22+s17+$0x0], $0xffff  }
0x1cd: {  	[tilespmem:s30+$0x20] =	vst v2;
	v9 =	vld.idx.msk [tilespmem:v26+s17+$0x0], $0xffff  }
0x1ce: {  	v8 =	vld.idx.msk [tilespmem:v8+s17+$0x0], $0xffff;
	[tilespmem:s30+$0x30] =	vst v4  }
0x1cf: {  	v0 =	vld.idx.msk [tilespmem:v13+s17+$0x0], $0xffff;
	[tilespmem:s30+$0x40] =	vst v7  }
.Ltmp4:
0x1d0: {  	v1 =	vld.idx.msk [tilespmem:v16+s17+$0x0], $0xffff;
	[tilespmem:s30+$0xF0] =	vst v3;
	(pc) =	sbr.rel @p0 .LBB2_10-.Ltmp4, $4  }
0x1d1: {  	[tilespmem:s30+$0x0] =	vst v5;
	v3 =	vld.idx.msk [tilespmem:v20+s17+$0x0], $0xffff  }
0x1d2: {  	v2 =	vld.idx.msk [tilespmem:v29+s17+$0x0], $0xffff;
	[tilespmem:s30+$0x50] =	vst v6  }
0x1d3: {  	v4 =	vld.idx.msk [tilespmem:v24+s17+$0x0], $0xffff;
	[tilespmem:s30+$0x60] =	vst v9  }
0x1d4: {  	s0 =	sadd.s32 $0x80, s0;
	[tilespmem:s30+$0x90] =	vst v8;
	v5 =	vld.idx.msk [tilespmem:v30+s17+$0x0], $0xffff  }
0x1d5: {  	[tilespmem:s30+$0xA0] =	vst v0  }
0x1d6: {  	[tilespmem:s30+$0xB0] =	vst v1  }
0x1d7: {  	[tilespmem:s30+$0xC0] =	vst v3  }
0x1d8: {  	[tilespmem:s30+$0x80] =	vst v2  }
0x1d9: {  	[tilespmem:s30+$0xD0] =	vst v4  }
0x1da: {  	[tilespmem:s30+$0xE0] =	vst v5  }
0x1db: {  	[hbm4b:s12+s2] =	stream.linear.scatter [tilespmem:s22], [sflag:$0x5], $0x4000, $0x38;
	[tilespmem:$0x1E000] =	vst v63  }
0x1dc: {  	_ =	swait.ge [sflag:s28], $0x4000  }
0x1dd: {  	[sflag:s28] =	ssyncset.done $0x0  }
0x1de: {  	s0 =	simm.s32 $0x1070;
	[sflag:s28] =	ssyncadd.s32 $0xFFFFC000  }
0x1df: {  	v0 =	vld [tilespmem:s0+$0x0]  }
0x1e0: {  	v1 =	vld [tilespmem:s0+$0xFFFFFFA0]  }
0x1e1: {  	v2 =	vld [tilespmem:s0+$0xFFFFFFB0]  }
0x1e2: {  	v3 =	vld [tilespmem:s0+$0xFFFFFFC0]  }
0x1e3: {  	v4 =	vld [tilespmem:s0+$0xFFFFFFD0]  }
0x1e4: {  	v5 =	vld [tilespmem:s0+$0xFFFFFFE0]  }
0x1e5: {  	v6 =	vld [tilespmem:s0+$0xFFFFFFF0]  }
0x1e6: {  	v7 =	vld [tilespmem:s0+$0xFFFFFF90]  }
0x1e7: {  	v8 =	vld.idx.msk [tilespmem:v0+s17+$0x0], $0xffff  }
0x1e8: {  	v9 =	vld.idx.msk [tilespmem:v1+s17+$0x0], $0xffff  }
0x1e9: {  	v10 =	vld.idx.msk [tilespmem:v2+s17+$0x0], $0xffff  }
0x1ea: {  	v11 =	vadd.s32 $0x80, v0;
	v12 =	vld.idx.msk [tilespmem:v3+s17+$0x0], $0xffff  }
0x1eb: {  	v13 =	vadd.s32 $0x80, v1;
	v14 =	vld.idx.msk [tilespmem:v4+s17+$0x0], $0xffff  }
0x1ec: {  	s30 =	simm.s32 $0x1A100;
	v15 =	vadd.s32 $0x80, v2;
	v16 =	vld.idx.msk [tilespmem:v5+s17+$0x0], $0xffff  }
0x1ed: {  	v17 =	vadd.s32 $0x80, v3;
	v18 =	vld.idx.msk [tilespmem:v6+s17+$0x0], $0xffff;
	[tilespmem:s30+$0xFFFFFF70] =	vst v8  }
0x1ee: {  	v44 =	vadd.s32 $0x80, v4;
	v19 =	vld.idx.msk [tilespmem:v7+s17+$0x0], $0xffff;
	[tilespmem:s30+$0xFFFFFF10] =	vst v9  }
0x1ef: {  	v46 =	vadd.s32 $0x80, v5;
	[tilespmem:s30+$0xFFFFFF20] =	vst v10;
	v45 =	vld.idx.msk [tilespmem:v11+s17+$0x0], $0xffff  }
0x1f0: {  	v49 =	vadd.s32 $0x80, v7;
	[tilespmem:s30+$0xFFFFFF30] =	vst v12;
	v47 =	vld.idx.msk [tilespmem:v13+s17+$0x0], $0xffff  }
0x1f1: {  	v50 =	vadd.s32 $0x80, v6;
	[tilespmem:s30+$0xFFFFFF40] =	vst v14;
	v15 =	vld.idx.msk [tilespmem:v15+s17+$0x0], $0xffff  }
0x1f2: {  	v48 =	vadd.s32 $0x100, v0;
	[tilespmem:s30+$0xFFFFFF50] =	vst v16;
	v17 =	vld.idx.msk [tilespmem:v17+s17+$0x0], $0xffff  }
0x1f3: {  	v51 =	vadd.s32 $0x100, v1;
	[tilespmem:s30+$0xFFFFFF60] =	vst v18;
	v8 =	vld.idx.msk [tilespmem:v44+s17+$0x0], $0xffff  }
0x1f4: {  	v52 =	vadd.s32 $0x100, v2;
	[tilespmem:s30+$0xFFFFFF00] =	vst v19;
	v11 =	vld.idx.msk [tilespmem:v46+s17+$0x0], $0xffff  }
0x1f5: {  	v53 =	vadd.s32 $0x100, v3;
	v13 =	vld.idx.msk [tilespmem:v49+s17+$0x0], $0xffff;
	[tilespmem:s30+$0xFFFFFFF0] =	vst v45  }
0x1f6: {  	v54 =	vadd.s32 $0x100, v4;
	v55 =	vld.idx.msk [tilespmem:v50+s17+$0x0], $0xffff;
	[tilespmem:s30+$0xFFFFFF90] =	vst v47  }
0x1f7: {  	v56 =	vadd.s32 $0x100, v7;
	[tilespmem:s30+$0xFFFFFFA0] =	vst v15;
	v12 =	vld.idx.msk [tilespmem:v48+s17+$0x0], $0xffff  }
0x1f8: {  	v58 =	vadd.s32 $0x100, v5;
	[tilespmem:s30+$0xFFFFFFB0] =	vst v17;
	v57 =	vld.idx.msk [tilespmem:v51+s17+$0x0], $0xffff  }
0x1f9: {  	v60 =	vadd.s32 $0x100, v6;
	[tilespmem:s30+$0xFFFFFFC0] =	vst v8;
	v59 =	vld.idx.msk [tilespmem:v52+s17+$0x0], $0xffff  }
0x1fa: {  	v0 =	vadd.s32 $0x180, v0;
	[tilespmem:s30+$0xFFFFFFD0] =	vst v11;
	v9 =	vld.idx.msk [tilespmem:v53+s17+$0x0], $0xffff  }
0x1fb: {  	v1 =	vadd.s32 $0x180, v1;
	[tilespmem:s30+$0xFFFFFF80] =	vst v13;
	v61 =	vld.idx.msk [tilespmem:v54+s17+$0x0], $0xffff  }
0x1fc: {  	v2 =	vadd.s32 $0x180, v2;
	[tilespmem:s30+$0xFFFFFFE0] =	vst v55;
	v13 =	vld.idx.msk [tilespmem:v56+s17+$0x0], $0xffff  }
0x1fd: {  	v3 =	vadd.s32 $0x180, v3;
	v62 =	vld.idx.msk [tilespmem:v58+s17+$0x0], $0xffff;
	[tilespmem:s30+$0x70] =	vst v12  }
0x1fe: {  	v4 =	vadd.s32 $0x180, v4;
	v8 =	vld.idx.msk [tilespmem:v60+s17+$0x0], $0xffff;
	[tilespmem:s30+$0x10] =	vst v57  }
0x1ff: {  	v7 =	vadd.s32 $0x180, v7;
	[tilespmem:s30+$0x20] =	vst v59;
	v12 =	vld.idx.msk [tilespmem:v0+s17+$0x0], $0xffff  }
0x200: {  	v5 =	vadd.s32 $0x180, v5;
	[tilespmem:s30+$0x30] =	vst v9;
	v63 =	vld.idx.msk [tilespmem:v1+s17+$0x0], $0xffff  }
0x201: {  	v6 =	vadd.s32 $0x180, v6;
	[tilespmem:s30+$0x40] =	vst v61;
	v0 =	vld.idx.msk [tilespmem:v2+s17+$0x0], $0xffff  }
0x202: {  	[tilespmem:s30+$0x0] =	vst v13;
	v1 =	vld.idx.msk [tilespmem:v3+s17+$0x0], $0xffff  }
0x203: {  	[tilespmem:s30+$0x50] =	vst v62;
	v3 =	vld.idx.msk [tilespmem:v4+s17+$0x0], $0xffff  }
0x204: {  	[tilespmem:s30+$0x60] =	vst v8;
	v2 =	vld.idx.msk [tilespmem:v7+s17+$0x0], $0xffff  }
0x205: {  	v4 =	vld.idx.msk [tilespmem:v5+s17+$0x0], $0xffff;
	[tilespmem:s30+$0xF0] =	vst v12  }
0x206: {  	s31 =	simm.s32 $0x0;
	s0 =	simm.s32 $0x10F0;
	v5 =	vld.idx.msk [tilespmem:v6+s17+$0x0], $0xffff;
	[tilespmem:s30+$0x90] =	vst v63  }
.LBB2_12:
0x207: {  	v6 =	vld [tilespmem:s0+$0x0];
	s31 =	sadd.s32 $0x80, s31;
	[tilespmem:s30+$0xA0] =	vst v0  }
0x208: {  	v0 =	vld [tilespmem:s0+$0xFFFFFFA0];
	p0 =	slt.u32 s31, $0xF80;
	[tilespmem:s30+$0xB0] =	vst v1  }
0x209: {  	v1 =	vld [tilespmem:s0+$0xFFFFFFB0];
	[tilespmem:s30+$0xC0] =	vst v3  }
0x20a: {  	v3 =	vld [tilespmem:s0+$0xFFFFFFC0];
	[tilespmem:s30+$0x80] =	vst v2  }
0x20b: {  	v2 =	vld [tilespmem:s0+$0xFFFFFFD0];
	[tilespmem:s30+$0xD0] =	vst v4  }
0x20c: {  	v4 =	vld [tilespmem:s0+$0xFFFFFFE0];
	[tilespmem:s30+$0xE0] =	vst v5  }
0x20d: {  	v5 =	vadd.s32 $0x80, v0;
	v7 =	vadd.s32 $0x100, v0;
	v8 =	vadd.s32 $0x180, v0;
	v9 =	vld [tilespmem:s0+$0xFFFFFFF0]  }
0x20e: {  	v10 =	vld [tilespmem:s0+$0xFFFFFF90];
	v11 =	vadd.s32 $0x80, v1;
	v12 =	vadd.s32 $0x100, v1;
	v13 =	vadd.s32 $0x180, v1  }
0x20f: {  	v14 =	vadd.s32 $0x80, v3;
	v15 =	vadd.s32 $0x100, v3;
	v16 =	vadd.s32 $0x180, v3;
	v17 =	vld.idx.msk [tilespmem:v6+s17+$0x0], $0xffff  }
0x210: {  	v0 =	vld.idx.msk [tilespmem:v0+s17+$0x0], $0xffff;
	v18 =	vadd.s32 $0x80, v2;
	v19 =	vadd.s32 $0x100, v2;
	v20 =	vadd.s32 $0x180, v2  }
0x211: {  	v23 =	vadd.s32 $0x80, v6;
	v1 =	vld.idx.msk [tilespmem:v1+s17+$0x0], $0xffff;
	v21 =	vadd.s32 $0x80, v4;
	v22 =	vadd.s32 $0x100, v4  }
0x212: {  	v24 =	vadd.s32 $0x180, v4;
	v3 =	vld.idx.msk [tilespmem:v3+s17+$0x0], $0xffff;
	v25 =	vadd.s32 $0x80, v9;
	v26 =	vadd.s32 $0x100, v9  }
0x213: {  	v27 =	vadd.s32 $0x80, v10;
	v28 =	vadd.s32 $0x100, v10;
	v29 =	vadd.s32 $0x180, v10;
	v2 =	vld.idx.msk [tilespmem:v2+s17+$0x0], $0xffff  }
0x214: {  	s30 =	sadd.s32 $0x200, s30;
	v30 =	vadd.s32 $0x180, v9;
	v4 =	vld.idx.msk [tilespmem:v4+s17+$0x0], $0xffff  }
0x215: {  	v9 =	vld.idx.msk [tilespmem:v9+s17+$0x0], $0xffff;
	[tilespmem:s30+$0xFFFFFF70] =	vst v17  }
0x216: {  	[tilespmem:s30+$0xFFFFFF10] =	vst v0;
	v0 =	vld.idx.msk [tilespmem:v23+s17+$0x0], $0xffff  }
0x217: {  	v10 =	vld.idx.msk [tilespmem:v10+s17+$0x0], $0xffff;
	[tilespmem:s30+$0xFFFFFF20] =	vst v1  }
0x218: {  	v1 =	vld.idx.msk [tilespmem:v5+s17+$0x0], $0xffff;
	[tilespmem:s30+$0xFFFFFF30] =	vst v3;
	v3 =	vadd.s32 $0x100, v6  }
0x219: {  	v5 =	vld.idx.msk [tilespmem:v11+s17+$0x0], $0xffff;
	[tilespmem:s30+$0xFFFFFF40] =	vst v2  }
0x21a: {  	v2 =	vld.idx.msk [tilespmem:v14+s17+$0x0], $0xffff;
	[tilespmem:s30+$0xFFFFFF50] =	vst v4  }
0x21b: {  	v4 =	vld.idx.msk [tilespmem:v18+s17+$0x0], $0xffff;
	[tilespmem:s30+$0xFFFFFF60] =	vst v9  }
0x21c: {  	v9 =	vld.idx.msk [tilespmem:v21+s17+$0x0], $0xffff;
	[tilespmem:s30+$0xFFFFFFF0] =	vst v0  }
0x21d: {  	[tilespmem:s30+$0xFFFFFF00] =	vst v10;
	v0 =	vld.idx.msk [tilespmem:v3+s17+$0x0], $0xffff  }
0x21e: {  	v3 =	vld.idx.msk [tilespmem:v27+s17+$0x0], $0xffff;
	[tilespmem:s30+$0xFFFFFF90] =	vst v1  }
0x21f: {  	[tilespmem:s30+$0xFFFFFFA0] =	vst v5;
	v1 =	vld.idx.msk [tilespmem:v25+s17+$0x0], $0xffff;
	v5 =	vadd.s32 $0x180, v6  }
0x220: {  	v6 =	vld.idx.msk [tilespmem:v7+s17+$0x0], $0xffff;
	[tilespmem:s30+$0xFFFFFFB0] =	vst v2  }
0x221: {  	v2 =	vld.idx.msk [tilespmem:v12+s17+$0x0], $0xffff;
	[tilespmem:s30+$0xFFFFFFC0] =	vst v4  }
0x222: {  	v4 =	vld.idx.msk [tilespmem:v15+s17+$0x0], $0xffff;
	[tilespmem:s30+$0xFFFFFFD0] =	vst v9  }
0x223: {  	v7 =	vld.idx.msk [tilespmem:v19+s17+$0x0], $0xffff;
	[tilespmem:s30+$0x70] =	vst v0  }
0x224: {  	[tilespmem:s30+$0xFFFFFF80] =	vst v3;
	v3 =	vld.idx.msk [tilespmem:v5+s17+$0x0], $0xffff  }
0x225: {  	v5 =	vld.idx.msk [tilespmem:v28+s17+$0x0], $0xffff;
	[tilespmem:s30+$0xFFFFFFE0] =	vst v1  }
0x226: {  	[tilespmem:s30+$0x10] =	vst v6;
	v6 =	vld.idx.msk [tilespmem:v22+s17+$0x0], $0xffff  }
0x227: {  	[tilespmem:s30+$0x20] =	vst v2;
	v9 =	vld.idx.msk [tilespmem:v26+s17+$0x0], $0xffff  }
0x228: {  	v8 =	vld.idx.msk [tilespmem:v8+s17+$0x0], $0xffff;
	[tilespmem:s30+$0x30] =	vst v4  }
0x229: {  	v0 =	vld.idx.msk [tilespmem:v13+s17+$0x0], $0xffff;
	[tilespmem:s30+$0x40] =	vst v7  }
.Ltmp5:
0x22a: {  	v1 =	vld.idx.msk [tilespmem:v16+s17+$0x0], $0xffff;
	[tilespmem:s30+$0xF0] =	vst v3;
	(pc) =	sbr.rel @p0 .LBB2_12-.Ltmp5, $4  }
0x22b: {  	[tilespmem:s30+$0x0] =	vst v5;
	v3 =	vld.idx.msk [tilespmem:v20+s17+$0x0], $0xffff  }
0x22c: {  	v2 =	vld.idx.msk [tilespmem:v29+s17+$0x0], $0xffff;
	[tilespmem:s30+$0x50] =	vst v6  }
0x22d: {  	v4 =	vld.idx.msk [tilespmem:v24+s17+$0x0], $0xffff;
	[tilespmem:s30+$0x60] =	vst v9  }
0x22e: {  	s0 =	sadd.s32 $0x80, s0;
	[tilespmem:s30+$0x90] =	vst v8;
	v5 =	vld.idx.msk [tilespmem:v30+s17+$0x0], $0xffff  }
0x22f: {  	[tilespmem:s30+$0xA0] =	vst v0  }
0x230: {  	[tilespmem:s30+$0xB0] =	vst v1  }
0x231: {  	[tilespmem:s30+$0xC0] =	vst v3  }
0x232: {  	[tilespmem:s30+$0x80] =	vst v2  }
0x233: {  	[tilespmem:s30+$0xD0] =	vst v4  }
0x234: {  	[tilespmem:s30+$0xE0] =	vst v5  }
0x235: {  	[hbm4b:s13+s2] =	stream.linear.scatter [tilespmem:s24], [sflag:$0x6], $0x4000, $0x38;
	[tilespmem:$0x1E000] =	vst v63  }
0x236: {  	_ =	swait.ge [sflag:s23], $0x8000  }
0x237: {  	[sflag:s23] =	ssyncset.done $0x0  }
0x238: {  	[sflag:s23] =	ssyncadd.s32 $0xFFFF8000  }
0x239: {  	_ =	swait.ge [sflag:s25], $0x4000  }
0x23a: {  	[sflag:s25] =	ssyncset.done $0x0  }
0x23b: {  	s0 =	simm.s32 $0x40;
	[sflag:s25] =	ssyncadd.s32 $0xFFFFC000  }
0x23c: {  	v0 =	vld [tilespmem:s0+$0x30]  }
0x23d: {  	v1 =	vld [tilespmem:s0+$0xFFFFFFD0]  }
0x23e: {  	v2 =	vld [tilespmem:s0+$0xFFFFFFE0]  }
0x23f: {  	v3 =	vld [tilespmem:s0+$0xFFFFFFF0]  }
0x240: {  	v4 =	vld [tilespmem:s0+$0x0]  }
0x241: {  	v5 =	vld [tilespmem:s0+$0x10]  }
0x242: {  	v6 =	vld [tilespmem:s0+$0x20]  }
0x243: {  	v7 =	vld [tilespmem:s0+$0xFFFFFFC0]  }
0x244: {  	v8 =	vld.idx.msk [tilespmem:v0+s20+$0x0], $0xffff  }
0x245: {  	v9 =	vld.idx.msk [tilespmem:v1+s20+$0x0], $0xffff  }
0x246: {  	v10 =	vld.idx.msk [tilespmem:v2+s20+$0x0], $0xffff  }
0x247: {  	v11 =	vadd.s32 $0x80, v0;
	v12 =	vld.idx.msk [tilespmem:v3+s20+$0x0], $0xffff  }
0x248: {  	v13 =	vadd.s32 $0x80, v1;
	v14 =	vld.idx.msk [tilespmem:v4+s20+$0x0], $0xffff  }
0x249: {  	s30 =	simm.s32 $0x12100;
	v15 =	vadd.s32 $0x80, v2;
	v16 =	vld.idx.msk [tilespmem:v5+s20+$0x0], $0xffff  }
0x24a: {  	v17 =	vadd.s32 $0x80, v3;
	v18 =	vld.idx.msk [tilespmem:v6+s20+$0x0], $0xffff;
	[tilespmem:s30+$0xFFFFFF70] =	vst v8  }
0x24b: {  	v44 =	vadd.s32 $0x80, v4;
	v19 =	vld.idx.msk [tilespmem:v7+s20+$0x0], $0xffff;
	[tilespmem:s30+$0xFFFFFF10] =	vst v9  }
0x24c: {  	v46 =	vadd.s32 $0x80, v5;
	[tilespmem:s30+$0xFFFFFF20] =	vst v10;
	v45 =	vld.idx.msk [tilespmem:v11+s20+$0x0], $0xffff  }
0x24d: {  	v49 =	vadd.s32 $0x80, v7;
	[tilespmem:s30+$0xFFFFFF30] =	vst v12;
	v47 =	vld.idx.msk [tilespmem:v13+s20+$0x0], $0xffff  }
0x24e: {  	v50 =	vadd.s32 $0x80, v6;
	[tilespmem:s30+$0xFFFFFF40] =	vst v14;
	v15 =	vld.idx.msk [tilespmem:v15+s20+$0x0], $0xffff  }
0x24f: {  	v48 =	vadd.s32 $0x100, v0;
	[tilespmem:s30+$0xFFFFFF50] =	vst v16;
	v17 =	vld.idx.msk [tilespmem:v17+s20+$0x0], $0xffff  }
0x250: {  	v51 =	vadd.s32 $0x100, v1;
	[tilespmem:s30+$0xFFFFFF60] =	vst v18;
	v8 =	vld.idx.msk [tilespmem:v44+s20+$0x0], $0xffff  }
0x251: {  	v52 =	vadd.s32 $0x100, v2;
	[tilespmem:s30+$0xFFFFFF00] =	vst v19;
	v11 =	vld.idx.msk [tilespmem:v46+s20+$0x0], $0xffff  }
0x252: {  	v53 =	vadd.s32 $0x100, v3;
	v13 =	vld.idx.msk [tilespmem:v49+s20+$0x0], $0xffff;
	[tilespmem:s30+$0xFFFFFFF0] =	vst v45  }
0x253: {  	v54 =	vadd.s32 $0x100, v4;
	v55 =	vld.idx.msk [tilespmem:v50+s20+$0x0], $0xffff;
	[tilespmem:s30+$0xFFFFFF90] =	vst v47  }
0x254: {  	v56 =	vadd.s32 $0x100, v7;
	[tilespmem:s30+$0xFFFFFFA0] =	vst v15;
	v12 =	vld.idx.msk [tilespmem:v48+s20+$0x0], $0xffff  }
0x255: {  	v58 =	vadd.s32 $0x100, v5;
	[tilespmem:s30+$0xFFFFFFB0] =	vst v17;
	v57 =	vld.idx.msk [tilespmem:v51+s20+$0x0], $0xffff  }
0x256: {  	v60 =	vadd.s32 $0x100, v6;
	[tilespmem:s30+$0xFFFFFFC0] =	vst v8;
	v59 =	vld.idx.msk [tilespmem:v52+s20+$0x0], $0xffff  }
0x257: {  	v0 =	vadd.s32 $0x180, v0;
	[tilespmem:s30+$0xFFFFFFD0] =	vst v11;
	v9 =	vld.idx.msk [tilespmem:v53+s20+$0x0], $0xffff  }
0x258: {  	v1 =	vadd.s32 $0x180, v1;
	[tilespmem:s30+$0xFFFFFF80] =	vst v13;
	v61 =	vld.idx.msk [tilespmem:v54+s20+$0x0], $0xffff  }
0x259: {  	v2 =	vadd.s32 $0x180, v2;
	[tilespmem:s30+$0xFFFFFFE0] =	vst v55;
	v13 =	vld.idx.msk [tilespmem:v56+s20+$0x0], $0xffff  }
0x25a: {  	v3 =	vadd.s32 $0x180, v3;
	v62 =	vld.idx.msk [tilespmem:v58+s20+$0x0], $0xffff;
	[tilespmem:s30+$0x70] =	vst v12  }
0x25b: {  	v4 =	vadd.s32 $0x180, v4;
	v8 =	vld.idx.msk [tilespmem:v60+s20+$0x0], $0xffff;
	[tilespmem:s30+$0x10] =	vst v57  }
0x25c: {  	v7 =	vadd.s32 $0x180, v7;
	[tilespmem:s30+$0x20] =	vst v59;
	v12 =	vld.idx.msk [tilespmem:v0+s20+$0x0], $0xffff  }
0x25d: {  	v5 =	vadd.s32 $0x180, v5;
	[tilespmem:s30+$0x30] =	vst v9;
	v63 =	vld.idx.msk [tilespmem:v1+s20+$0x0], $0xffff  }
0x25e: {  	v6 =	vadd.s32 $0x180, v6;
	[tilespmem:s30+$0x40] =	vst v61;
	v0 =	vld.idx.msk [tilespmem:v2+s20+$0x0], $0xffff  }
0x25f: {  	[tilespmem:s30+$0x0] =	vst v13;
	v1 =	vld.idx.msk [tilespmem:v3+s20+$0x0], $0xffff  }
0x260: {  	[tilespmem:s30+$0x50] =	vst v62;
	v3 =	vld.idx.msk [tilespmem:v4+s20+$0x0], $0xffff  }
0x261: {  	[tilespmem:s30+$0x60] =	vst v8;
	v2 =	vld.idx.msk [tilespmem:v7+s20+$0x0], $0xffff  }
0x262: {  	v4 =	vld.idx.msk [tilespmem:v5+s20+$0x0], $0xffff;
	[tilespmem:s30+$0xF0] =	vst v12  }
0x263: {  	s31 =	simm.s32 $0x0;
	s0 =	simm.s32 $0xC0;
	v5 =	vld.idx.msk [tilespmem:v6+s20+$0x0], $0xffff;
	[tilespmem:s30+$0x90] =	vst v63  }
.LBB2_14:
0x264: {  	v6 =	vld [tilespmem:s0+$0x30];
	s31 =	sadd.s32 $0x80, s31;
	[tilespmem:s30+$0xA0] =	vst v0  }
0x265: {  	v0 =	vld [tilespmem:s0+$0xFFFFFFD0];
	p0 =	slt.u32 s31, $0xF80;
	[tilespmem:s30+$0xB0] =	vst v1  }
0x266: {  	v1 =	vld [tilespmem:s0+$0xFFFFFFE0];
	[tilespmem:s30+$0xC0] =	vst v3  }
0x267: {  	v3 =	vld [tilespmem:s0+$0xFFFFFFF0];
	[tilespmem:s30+$0x80] =	vst v2  }
0x268: {  	v2 =	vld [tilespmem:s0+$0x0];
	[tilespmem:s30+$0xD0] =	vst v4  }
0x269: {  	v4 =	vld [tilespmem:s0+$0x10];
	[tilespmem:s30+$0xE0] =	vst v5  }
0x26a: {  	v5 =	vadd.s32 $0x80, v0;
	v7 =	vadd.s32 $0x100, v0;
	v8 =	vadd.s32 $0x180, v0;
	v9 =	vld [tilespmem:s0+$0x20]  }
0x26b: {  	v10 =	vld [tilespmem:s0+$0xFFFFFFC0];
	v11 =	vadd.s32 $0x80, v1;
	v12 =	vadd.s32 $0x100, v1;
	v13 =	vadd.s32 $0x180, v1  }
0x26c: {  	v14 =	vadd.s32 $0x80, v3;
	v15 =	vadd.s32 $0x100, v3;
	v16 =	vadd.s32 $0x180, v3;
	v17 =	vld.idx.msk [tilespmem:v6+s20+$0x0], $0xffff  }
0x26d: {  	v0 =	vld.idx.msk [tilespmem:v0+s20+$0x0], $0xffff;
	v18 =	vadd.s32 $0x80, v2;
	v19 =	vadd.s32 $0x100, v2;
	v20 =	vadd.s32 $0x180, v2  }
0x26e: {  	v23 =	vadd.s32 $0x80, v6;
	v1 =	vld.idx.msk [tilespmem:v1+s20+$0x0], $0xffff;
	v21 =	vadd.s32 $0x80, v4;
	v22 =	vadd.s32 $0x100, v4  }
0x26f: {  	v24 =	vadd.s32 $0x180, v4;
	v3 =	vld.idx.msk [tilespmem:v3+s20+$0x0], $0xffff;
	v25 =	vadd.s32 $0x80, v9;
	v26 =	vadd.s32 $0x100, v9  }
0x270: {  	v27 =	vadd.s32 $0x80, v10;
	v28 =	vadd.s32 $0x100, v10;
	v29 =	vadd.s32 $0x180, v10;
	v2 =	vld.idx.msk [tilespmem:v2+s20+$0x0], $0xffff  }
0x271: {  	s30 =	sadd.s32 $0x200, s30;
	v30 =	vadd.s32 $0x180, v9;
	v4 =	vld.idx.msk [tilespmem:v4+s20+$0x0], $0xffff  }
0x272: {  	v9 =	vld.idx.msk [tilespmem:v9+s20+$0x0], $0xffff;
	[tilespmem:s30+$0xFFFFFF70] =	vst v17  }
0x273: {  	[tilespmem:s30+$0xFFFFFF10] =	vst v0;
	v0 =	vld.idx.msk [tilespmem:v23+s20+$0x0], $0xffff  }
0x274: {  	v10 =	vld.idx.msk [tilespmem:v10+s20+$0x0], $0xffff;
	[tilespmem:s30+$0xFFFFFF20] =	vst v1  }
0x275: {  	v1 =	vld.idx.msk [tilespmem:v5+s20+$0x0], $0xffff;
	[tilespmem:s30+$0xFFFFFF30] =	vst v3;
	v3 =	vadd.s32 $0x100, v6  }
0x276: {  	v5 =	vld.idx.msk [tilespmem:v11+s20+$0x0], $0xffff;
	[tilespmem:s30+$0xFFFFFF40] =	vst v2  }
0x277: {  	v2 =	vld.idx.msk [tilespmem:v14+s20+$0x0], $0xffff;
	[tilespmem:s30+$0xFFFFFF50] =	vst v4  }
0x278: {  	v4 =	vld.idx.msk [tilespmem:v18+s20+$0x0], $0xffff;
	[tilespmem:s30+$0xFFFFFF60] =	vst v9  }
0x279: {  	v9 =	vld.idx.msk [tilespmem:v21+s20+$0x0], $0xffff;
	[tilespmem:s30+$0xFFFFFFF0] =	vst v0  }
0x27a: {  	[tilespmem:s30+$0xFFFFFF00] =	vst v10;
	v0 =	vld.idx.msk [tilespmem:v3+s20+$0x0], $0xffff  }
0x27b: {  	v3 =	vld.idx.msk [tilespmem:v27+s20+$0x0], $0xffff;
	[tilespmem:s30+$0xFFFFFF90] =	vst v1  }
0x27c: {  	[tilespmem:s30+$0xFFFFFFA0] =	vst v5;
	v1 =	vld.idx.msk [tilespmem:v25+s20+$0x0], $0xffff;
	v5 =	vadd.s32 $0x180, v6  }
0x27d: {  	v6 =	vld.idx.msk [tilespmem:v7+s20+$0x0], $0xffff;
	[tilespmem:s30+$0xFFFFFFB0] =	vst v2  }
0x27e: {  	v2 =	vld.idx.msk [tilespmem:v12+s20+$0x0], $0xffff;
	[tilespmem:s30+$0xFFFFFFC0] =	vst v4  }
0x27f: {  	v4 =	vld.idx.msk [tilespmem:v15+s20+$0x0], $0xffff;
	[tilespmem:s30+$0xFFFFFFD0] =	vst v9  }
0x280: {  	v7 =	vld.idx.msk [tilespmem:v19+s20+$0x0], $0xffff;
	[tilespmem:s30+$0x70] =	vst v0  }
0x281: {  	[tilespmem:s30+$0xFFFFFF80] =	vst v3;
	v3 =	vld.idx.msk [tilespmem:v5+s20+$0x0], $0xffff  }
0x282: {  	v5 =	vld.idx.msk [tilespmem:v28+s20+$0x0], $0xffff;
	[tilespmem:s30+$0xFFFFFFE0] =	vst v1  }
0x283: {  	[tilespmem:s30+$0x10] =	vst v6;
	v6 =	vld.idx.msk [tilespmem:v22+s20+$0x0], $0xffff  }
0x284: {  	[tilespmem:s30+$0x20] =	vst v2;
	v9 =	vld.idx.msk [tilespmem:v26+s20+$0x0], $0xffff  }
0x285: {  	v8 =	vld.idx.msk [tilespmem:v8+s20+$0x0], $0xffff;
	[tilespmem:s30+$0x30] =	vst v4  }
0x286: {  	v0 =	vld.idx.msk [tilespmem:v13+s20+$0x0], $0xffff;
	[tilespmem:s30+$0x40] =	vst v7  }
.Ltmp6:
0x287: {  	v1 =	vld.idx.msk [tilespmem:v16+s20+$0x0], $0xffff;
	[tilespmem:s30+$0xF0] =	vst v3;
	(pc) =	sbr.rel @p0 .LBB2_14-.Ltmp6, $4  }
0x288: {  	[tilespmem:s30+$0x0] =	vst v5;
	v3 =	vld.idx.msk [tilespmem:v20+s20+$0x0], $0xffff  }
0x289: {  	v2 =	vld.idx.msk [tilespmem:v29+s20+$0x0], $0xffff;
	[tilespmem:s30+$0x50] =	vst v6  }
0x28a: {  	v4 =	vld.idx.msk [tilespmem:v24+s20+$0x0], $0xffff;
	[tilespmem:s30+$0x60] =	vst v9  }
0x28b: {  	s0 =	sadd.s32 $0x80, s0;
	[tilespmem:s30+$0x90] =	vst v8;
	v5 =	vld.idx.msk [tilespmem:v30+s20+$0x0], $0xffff  }
0x28c: {  	[tilespmem:s30+$0xA0] =	vst v0  }
0x28d: {  	[tilespmem:s30+$0xB0] =	vst v1  }
0x28e: {  	[tilespmem:s30+$0xC0] =	vst v3  }
0x28f: {  	[tilespmem:s30+$0x80] =	vst v2  }
0x290: {  	[tilespmem:s30+$0xD0] =	vst v4  }
0x291: {  	[tilespmem:s30+$0xE0] =	vst v5  }
0x292: {  	[hbm4b:s14+s2] =	stream.linear.scatter [tilespmem:s21], [sflag:$0x4], $0x4000, $0x38;
	[tilespmem:$0x1E000] =	vst v63  }
0x293: {  	_ =	swait.ge [sflag:s26], $0x4000  }
0x294: {  	[sflag:s26] =	ssyncset.done $0x0  }
0x295: {  	s0 =	simm.s32 $0x1070;
	[sflag:s26] =	ssyncadd.s32 $0xFFFFC000  }
0x296: {  	v0 =	vld [tilespmem:s0+$0x0]  }
0x297: {  	v1 =	vld [tilespmem:s0+$0xFFFFFFA0]  }
0x298: {  	v2 =	vld [tilespmem:s0+$0xFFFFFFB0]  }
0x299: {  	v3 =	vld [tilespmem:s0+$0xFFFFFFC0]  }
0x29a: {  	v4 =	vld [tilespmem:s0+$0xFFFFFFD0]  }
0x29b: {  	v5 =	vld [tilespmem:s0+$0xFFFFFFE0]  }
0x29c: {  	v6 =	vld [tilespmem:s0+$0xFFFFFFF0]  }
0x29d: {  	v7 =	vld [tilespmem:s0+$0xFFFFFF90]  }
0x29e: {  	v8 =	vld.idx.msk [tilespmem:v0+s20+$0x0], $0xffff  }
0x29f: {  	v9 =	vld.idx.msk [tilespmem:v1+s20+$0x0], $0xffff  }
0x2a0: {  	v10 =	vld.idx.msk [tilespmem:v2+s20+$0x0], $0xffff  }
0x2a1: {  	v11 =	vadd.s32 $0x80, v0;
	v12 =	vld.idx.msk [tilespmem:v3+s20+$0x0], $0xffff  }
0x2a2: {  	v13 =	vadd.s32 $0x80, v1;
	v14 =	vld.idx.msk [tilespmem:v4+s20+$0x0], $0xffff  }
0x2a3: {  	s30 =	simm.s32 $0x16100;
	v15 =	vadd.s32 $0x80, v2;
	v16 =	vld.idx.msk [tilespmem:v5+s20+$0x0], $0xffff  }
0x2a4: {  	v17 =	vadd.s32 $0x80, v3;
	v18 =	vld.idx.msk [tilespmem:v6+s20+$0x0], $0xffff;
	[tilespmem:s30+$0xFFFFFF70] =	vst v8  }
0x2a5: {  	v44 =	vadd.s32 $0x80, v4;
	v19 =	vld.idx.msk [tilespmem:v7+s20+$0x0], $0xffff;
	[tilespmem:s30+$0xFFFFFF10] =	vst v9  }
0x2a6: {  	v46 =	vadd.s32 $0x80, v5;
	[tilespmem:s30+$0xFFFFFF20] =	vst v10;
	v45 =	vld.idx.msk [tilespmem:v11+s20+$0x0], $0xffff  }
0x2a7: {  	v49 =	vadd.s32 $0x80, v7;
	[tilespmem:s30+$0xFFFFFF30] =	vst v12;
	v47 =	vld.idx.msk [tilespmem:v13+s20+$0x0], $0xffff  }
0x2a8: {  	v50 =	vadd.s32 $0x80, v6;
	[tilespmem:s30+$0xFFFFFF40] =	vst v14;
	v15 =	vld.idx.msk [tilespmem:v15+s20+$0x0], $0xffff  }
0x2a9: {  	v48 =	vadd.s32 $0x100, v0;
	[tilespmem:s30+$0xFFFFFF50] =	vst v16;
	v17 =	vld.idx.msk [tilespmem:v17+s20+$0x0], $0xffff  }
0x2aa: {  	v51 =	vadd.s32 $0x100, v1;
	[tilespmem:s30+$0xFFFFFF60] =	vst v18;
	v8 =	vld.idx.msk [tilespmem:v44+s20+$0x0], $0xffff  }
0x2ab: {  	v52 =	vadd.s32 $0x100, v2;
	[tilespmem:s30+$0xFFFFFF00] =	vst v19;
	v11 =	vld.idx.msk [tilespmem:v46+s20+$0x0], $0xffff  }
0x2ac: {  	v53 =	vadd.s32 $0x100, v3;
	v13 =	vld.idx.msk [tilespmem:v49+s20+$0x0], $0xffff;
	[tilespmem:s30+$0xFFFFFFF0] =	vst v45  }
0x2ad: {  	v54 =	vadd.s32 $0x100, v4;
	v55 =	vld.idx.msk [tilespmem:v50+s20+$0x0], $0xffff;
	[tilespmem:s30+$0xFFFFFF90] =	vst v47  }
0x2ae: {  	v56 =	vadd.s32 $0x100, v7;
	[tilespmem:s30+$0xFFFFFFA0] =	vst v15;
	v12 =	vld.idx.msk [tilespmem:v48+s20+$0x0], $0xffff  }
0x2af: {  	v58 =	vadd.s32 $0x100, v5;
	[tilespmem:s30+$0xFFFFFFB0] =	vst v17;
	v57 =	vld.idx.msk [tilespmem:v51+s20+$0x0], $0xffff  }
0x2b0: {  	v60 =	vadd.s32 $0x100, v6;
	[tilespmem:s30+$0xFFFFFFC0] =	vst v8;
	v59 =	vld.idx.msk [tilespmem:v52+s20+$0x0], $0xffff  }
0x2b1: {  	v0 =	vadd.s32 $0x180, v0;
	[tilespmem:s30+$0xFFFFFFD0] =	vst v11;
	v9 =	vld.idx.msk [tilespmem:v53+s20+$0x0], $0xffff  }
0x2b2: {  	v1 =	vadd.s32 $0x180, v1;
	[tilespmem:s30+$0xFFFFFF80] =	vst v13;
	v61 =	vld.idx.msk [tilespmem:v54+s20+$0x0], $0xffff  }
0x2b3: {  	v2 =	vadd.s32 $0x180, v2;
	[tilespmem:s30+$0xFFFFFFE0] =	vst v55;
	v13 =	vld.idx.msk [tilespmem:v56+s20+$0x0], $0xffff  }
0x2b4: {  	v3 =	vadd.s32 $0x180, v3;
	v62 =	vld.idx.msk [tilespmem:v58+s20+$0x0], $0xffff;
	[tilespmem:s30+$0x70] =	vst v12  }
0x2b5: {  	v4 =	vadd.s32 $0x180, v4;
	v8 =	vld.idx.msk [tilespmem:v60+s20+$0x0], $0xffff;
	[tilespmem:s30+$0x10] =	vst v57  }
0x2b6: {  	v7 =	vadd.s32 $0x180, v7;
	[tilespmem:s30+$0x20] =	vst v59;
	v12 =	vld.idx.msk [tilespmem:v0+s20+$0x0], $0xffff  }
0x2b7: {  	v5 =	vadd.s32 $0x180, v5;
	[tilespmem:s30+$0x30] =	vst v9;
	v63 =	vld.idx.msk [tilespmem:v1+s20+$0x0], $0xffff  }
0x2b8: {  	v6 =	vadd.s32 $0x180, v6;
	[tilespmem:s30+$0x40] =	vst v61;
	v0 =	vld.idx.msk [tilespmem:v2+s20+$0x0], $0xffff  }
0x2b9: {  	[tilespmem:s30+$0x0] =	vst v13;
	v1 =	vld.idx.msk [tilespmem:v3+s20+$0x0], $0xffff  }
0x2ba: {  	[tilespmem:s30+$0x50] =	vst v62;
	v3 =	vld.idx.msk [tilespmem:v4+s20+$0x0], $0xffff  }
0x2bb: {  	[tilespmem:s30+$0x60] =	vst v8;
	v2 =	vld.idx.msk [tilespmem:v7+s20+$0x0], $0xffff  }
0x2bc: {  	v4 =	vld.idx.msk [tilespmem:v5+s20+$0x0], $0xffff;
	[tilespmem:s30+$0xF0] =	vst v12  }
0x2bd: {  	s31 =	simm.s32 $0x0;
	s0 =	simm.s32 $0x10F0;
	v5 =	vld.idx.msk [tilespmem:v6+s20+$0x0], $0xffff;
	[tilespmem:s30+$0x90] =	vst v63  }
.LBB2_16:
0x2be: {  	v6 =	vld [tilespmem:s0+$0x0];
	s31 =	sadd.s32 $0x80, s31;
	[tilespmem:s30+$0xA0] =	vst v0  }
0x2bf: {  	v0 =	vld [tilespmem:s0+$0xFFFFFFA0];
	p0 =	slt.u32 s31, $0xF80;
	[tilespmem:s30+$0xB0] =	vst v1  }
0x2c0: {  	v1 =	vld [tilespmem:s0+$0xFFFFFFB0];
	[tilespmem:s30+$0xC0] =	vst v3  }
0x2c1: {  	v3 =	vld [tilespmem:s0+$0xFFFFFFC0];
	[tilespmem:s30+$0x80] =	vst v2  }
0x2c2: {  	v2 =	vld [tilespmem:s0+$0xFFFFFFD0];
	[tilespmem:s30+$0xD0] =	vst v4  }
0x2c3: {  	v4 =	vld [tilespmem:s0+$0xFFFFFFE0];
	[tilespmem:s30+$0xE0] =	vst v5  }
0x2c4: {  	v5 =	vadd.s32 $0x80, v0;
	v7 =	vadd.s32 $0x100, v0;
	v8 =	vadd.s32 $0x180, v0;
	v9 =	vld [tilespmem:s0+$0xFFFFFFF0]  }
0x2c5: {  	v10 =	vld [tilespmem:s0+$0xFFFFFF90];
	v11 =	vadd.s32 $0x80, v1;
	v12 =	vadd.s32 $0x100, v1;
	v13 =	vadd.s32 $0x180, v1  }
0x2c6: {  	v14 =	vadd.s32 $0x80, v3;
	v15 =	vadd.s32 $0x100, v3;
	v16 =	vadd.s32 $0x180, v3;
	v17 =	vld.idx.msk [tilespmem:v6+s20+$0x0], $0xffff  }
0x2c7: {  	v0 =	vld.idx.msk [tilespmem:v0+s20+$0x0], $0xffff;
	v18 =	vadd.s32 $0x80, v2;
	v19 =	vadd.s32 $0x100, v2;
	v20 =	vadd.s32 $0x180, v2  }
0x2c8: {  	v23 =	vadd.s32 $0x80, v6;
	v1 =	vld.idx.msk [tilespmem:v1+s20+$0x0], $0xffff;
	v21 =	vadd.s32 $0x80, v4;
	v22 =	vadd.s32 $0x100, v4  }
0x2c9: {  	v24 =	vadd.s32 $0x180, v4;
	v3 =	vld.idx.msk [tilespmem:v3+s20+$0x0], $0xffff;
	v25 =	vadd.s32 $0x80, v9;
	v26 =	vadd.s32 $0x100, v9  }
0x2ca: {  	v27 =	vadd.s32 $0x80, v10;
	v28 =	vadd.s32 $0x100, v10;
	v29 =	vadd.s32 $0x180, v10;
	v2 =	vld.idx.msk [tilespmem:v2+s20+$0x0], $0xffff  }
0x2cb: {  	s30 =	sadd.s32 $0x200, s30;
	v30 =	vadd.s32 $0x180, v9;
	v4 =	vld.idx.msk [tilespmem:v4+s20+$0x0], $0xffff  }
0x2cc: {  	v9 =	vld.idx.msk [tilespmem:v9+s20+$0x0], $0xffff;
	[tilespmem:s30+$0xFFFFFF70] =	vst v17  }
0x2cd: {  	[tilespmem:s30+$0xFFFFFF10] =	vst v0;
	v0 =	vld.idx.msk [tilespmem:v23+s20+$0x0], $0xffff  }
0x2ce: {  	v10 =	vld.idx.msk [tilespmem:v10+s20+$0x0], $0xffff;
	[tilespmem:s30+$0xFFFFFF20] =	vst v1  }
0x2cf: {  	v1 =	vld.idx.msk [tilespmem:v5+s20+$0x0], $0xffff;
	[tilespmem:s30+$0xFFFFFF30] =	vst v3;
	v3 =	vadd.s32 $0x100, v6  }
0x2d0: {  	v5 =	vld.idx.msk [tilespmem:v11+s20+$0x0], $0xffff;
	[tilespmem:s30+$0xFFFFFF40] =	vst v2  }
0x2d1: {  	v2 =	vld.idx.msk [tilespmem:v14+s20+$0x0], $0xffff;
	[tilespmem:s30+$0xFFFFFF50] =	vst v4  }
0x2d2: {  	v4 =	vld.idx.msk [tilespmem:v18+s20+$0x0], $0xffff;
	[tilespmem:s30+$0xFFFFFF60] =	vst v9  }
0x2d3: {  	v9 =	vld.idx.msk [tilespmem:v21+s20+$0x0], $0xffff;
	[tilespmem:s30+$0xFFFFFFF0] =	vst v0  }
0x2d4: {  	[tilespmem:s30+$0xFFFFFF00] =	vst v10;
	v0 =	vld.idx.msk [tilespmem:v3+s20+$0x0], $0xffff  }
0x2d5: {  	v3 =	vld.idx.msk [tilespmem:v27+s20+$0x0], $0xffff;
	[tilespmem:s30+$0xFFFFFF90] =	vst v1  }
0x2d6: {  	[tilespmem:s30+$0xFFFFFFA0] =	vst v5;
	v1 =	vld.idx.msk [tilespmem:v25+s20+$0x0], $0xffff;
	v5 =	vadd.s32 $0x180, v6  }
0x2d7: {  	v6 =	vld.idx.msk [tilespmem:v7+s20+$0x0], $0xffff;
	[tilespmem:s30+$0xFFFFFFB0] =	vst v2  }
0x2d8: {  	v2 =	vld.idx.msk [tilespmem:v12+s20+$0x0], $0xffff;
	[tilespmem:s30+$0xFFFFFFC0] =	vst v4  }
0x2d9: {  	v4 =	vld.idx.msk [tilespmem:v15+s20+$0x0], $0xffff;
	[tilespmem:s30+$0xFFFFFFD0] =	vst v9  }
0x2da: {  	v7 =	vld.idx.msk [tilespmem:v19+s20+$0x0], $0xffff;
	[tilespmem:s30+$0x70] =	vst v0  }
0x2db: {  	[tilespmem:s30+$0xFFFFFF80] =	vst v3;
	v3 =	vld.idx.msk [tilespmem:v5+s20+$0x0], $0xffff  }
0x2dc: {  	v5 =	vld.idx.msk [tilespmem:v28+s20+$0x0], $0xffff;
	[tilespmem:s30+$0xFFFFFFE0] =	vst v1  }
0x2dd: {  	[tilespmem:s30+$0x10] =	vst v6;
	v6 =	vld.idx.msk [tilespmem:v22+s20+$0x0], $0xffff  }
0x2de: {  	[tilespmem:s30+$0x20] =	vst v2;
	v9 =	vld.idx.msk [tilespmem:v26+s20+$0x0], $0xffff  }
0x2df: {  	v8 =	vld.idx.msk [tilespmem:v8+s20+$0x0], $0xffff;
	[tilespmem:s30+$0x30] =	vst v4  }
0x2e0: {  	v0 =	vld.idx.msk [tilespmem:v13+s20+$0x0], $0xffff;
	[tilespmem:s30+$0x40] =	vst v7  }
.Ltmp7:
0x2e1: {  	v1 =	vld.idx.msk [tilespmem:v16+s20+$0x0], $0xffff;
	[tilespmem:s30+$0xF0] =	vst v3;
	(pc) =	sbr.rel @p0 .LBB2_16-.Ltmp7, $4  }
0x2e2: {  	[tilespmem:s30+$0x0] =	vst v5;
	v3 =	vld.idx.msk [tilespmem:v20+s20+$0x0], $0xffff  }
0x2e3: {  	v2 =	vld.idx.msk [tilespmem:v29+s20+$0x0], $0xffff;
	[tilespmem:s30+$0x50] =	vst v6  }
0x2e4: {  	v4 =	vld.idx.msk [tilespmem:v24+s20+$0x0], $0xffff;
	[tilespmem:s30+$0x60] =	vst v9  }
0x2e5: {  	s0 =	sadd.s32 $0x80, s0;
	[tilespmem:s30+$0x90] =	vst v8;
	v5 =	vld.idx.msk [tilespmem:v30+s20+$0x0], $0xffff  }
0x2e6: {  	[tilespmem:s30+$0xA0] =	vst v0  }
0x2e7: {  	[tilespmem:s30+$0xB0] =	vst v1  }
0x2e8: {  	[tilespmem:s30+$0xC0] =	vst v3  }
0x2e9: {  	[tilespmem:s30+$0x80] =	vst v2  }
0x2ea: {  	[tilespmem:s30+$0xD0] =	vst v4  }
0x2eb: {  	[tilespmem:s30+$0xE0] =	vst v5  }
0x2ec: {  	[hbm4b:s15+s2] =	stream.linear.scatter [tilespmem:s22], [sflag:$0x5], $0x4000, $0x38;
	[tilespmem:$0x1E000] =	vst v63  }
0x2ed: {  	_ =	swait.ge [sflag:s25], $0x4000  }
0x2ee: {  	[sflag:s25] =	ssyncset.done $0x0  }
0x2ef: {  	s29 =	sadd.s32 $0x1, s29;
	[sflag:s25] =	ssyncadd.s32 $0xFFFFC000  }
0x2f0: {  	p0 =	sne.s32 s29, s16;
	_ =	swait.ge [sflag:s26], $0x4000  }
.Ltmp8:
0x2f1: {  	[sflag:s26] =	ssyncset.done $0x0;
	(pc) =	sbr.rel @p0 .LBB2_1-.Ltmp8, $4  }
0x2f2: {  	[sflag:s26] =	ssyncadd.s32 $0xFFFFC000  }
0x2f3: {  	_ =	swait.ge [sflag:s28], $0x4000  }
0x2f4: {  	[sflag:s28] =	ssyncset.done $0x0  }
0x2f5: {  	[sflag:s28] =	ssyncadd.s32 $0xFFFFC000  }
0x2f6: {  	_ =	sfence.sel $0x180000  }
0x2f7: {  	[bflag:$0x0] =	sbarrier.arrive $0xFFFF  }
0x2f8: {  	_ =	strace $0x90000047  }
0x2f9: {  	[bflag:$0x2] =	sbarrier.arrive $0xFFFF  }
0x2fa: {  	p0 =	sne.s32 s1, $0x0;
	s0 =	rddreg [dreg:$0x3]  }
0x2fb: {  	s0 =	sadd.s32 @!p0 $0x100000, s0  }
0x2fc: {  	[sflag:s0] =	ssyncadd.tile.s32 @!p0 $0x1;
	_ =	shalt  }
.Lfunc_end2:
_tile_overlayer_lowered:
.L_overlay_start_2:
0x2fd: {  	(tag) =	ssettag $0x2  }
0x2fe: {  	s0 =	rddreg [dreg:$0x0];
	s2 =	stileid.u32  }
0x2ff: {  	s1 =	rddreg [dreg:$0x1];
	p0 =	sne.s32 s2, $0x0  }
0x300: {  	s3 =	rddreg [dreg:$0x2];
	[bflag:$0x3] =	sbarrier.arrive $0xFFFF;
	s2 =	simm.s32 @!p0 $0x1C07  }
0x301: {  	[timem:s3], [sflag:s2] =	dma.local @!p0 [hbm:s0], s1  }
0x302: {  	s0 =	simm.s32 @!p0 $0x7  }
0x303: {  	_ =	swait.ge @!p0 [sflag:s0], s1  }
0x304: {  	s1 =	ssub.s32 @!p0 $0x0, s1;
	[sflag:s0] =	ssyncset.done @!p0 $0x0  }
0x305: {  	[sflag:s0] =	ssyncadd.s32 @!p0 s1  }
0x306: {  	[bflag:$0x3] =	sbarrier.arrive $0xFFFF  }
0x307: {  	_ =	shalt  }

</sc_bundles>
